<compile_context>
chip_gen: v7x
topology: tpu7x:2x2x1
jax: 0.10.2.dev20260603
libtpu: 0.0.44.dev20260713+nightly
codegen_flags: <defaults>
</compile_context>

<pallas_src>
import jax
import jax.numpy as jnp
from jax import lax
from jax.experimental import pallas as pl
from jax.experimental.pallas import tpu as pltpu
from jax.experimental.pallas import tpu_sc as plsc

N_TOTAL = 1179648
_info = plsc.get_sparse_core_info()
NC, NS, L = _info.num_cores, _info.num_subcores, _info.num_lanes
NW = NC * NS
B_PER_W = N_TOTAL // NW


CHUNKS = (3072, 14592, 14592, 4608)
OFFS = (0, 3072, 17664, 32256)
NCH = len(CHUNKS)


def _body(w_hbm, idx_hbm, mask_hbm, out_hbm, idx_v, rows_v, mask_v,
          isem, gsem, osem):
    wid = lax.axis_index("s") * NC + lax.axis_index("c")
    base = wid * B_PER_W

    def gather(c):
        return pltpu.async_copy(
            w_hbm.at[idx_v.at[pl.ds(OFFS[c], CHUNKS[c])]],
            rows_v.at[pl.ds(OFFS[c], CHUNKS[c])],
            gsem,
        )

    idx_cps = [
        pltpu.async_copy(
            idx_hbm.at[pl.ds(base + OFFS[c], CHUNKS[c])],
            idx_v.at[pl.ds(OFFS[c], CHUNKS[c])],
            isem,
        )
        for c in range(NCH)
    ]
    mask_cp = pltpu.async_copy(mask_hbm.at[pl.ds(base, B_PER_W)], mask_v,
                               osem)
    idx_cps[0].wait()
    gathers = [gather(0)]

    writes = []
    for c in range(NCH):
        if c + 1 < NCH:
            idx_cps[c + 1].wait()
            gathers.append(gather(c + 1))
        if c == 0:
            mask_cp.wait()
        gathers[c].wait()

        def mul(i, carry):
            sl = pl.ds(OFFS[c] + i * L, L)
            rows_v[sl] = rows_v[sl] * mask_v[sl]
            return carry

        lax.fori_loop(0, CHUNKS[c] // L, mul, 0, unroll=8)
        writes.append(
            pltpu.async_copy(
                rows_v.at[pl.ds(OFFS[c], CHUNKS[c])],
                out_hbm.at[pl.ds(base + OFFS[c], CHUNKS[c])],
                osem,
            )
        )
    for wcp in writes:
        wcp.wait()


@jax.jit
def _super_params(w, perm_key, mask_key):
    mesh = plsc.VectorSubcoreMesh(core_axis_name="c", subcore_axis_name="s")
    return pl.kernel(
        _body,
        out_type=jax.ShapeDtypeStruct((N_TOTAL,), jnp.float32),
        mesh=mesh,
        scratch_types=[
            pltpu.VMEM((B_PER_W,), jnp.int32),
            pltpu.VMEM((B_PER_W,), jnp.float32),
            pltpu.VMEM((B_PER_W,), jnp.float32),
            pltpu.SemaphoreType.DMA,
            pltpu.SemaphoreType.DMA,
            pltpu.SemaphoreType.DMA,
        ],
    )(w, perm_key, mask_key)


def kernel(w, perm_key, mask_key):
    return _super_params(w, perm_key.astype(jnp.int32), mask_key)

# --- scband reference (transcript-rebuilt; emitter-appended) ---
"""Pipeline reference for scband-super-params-72541997629922 (READ-ONLY COPY).

The authoritative reference and input builder live on the scoring server;
editing this copy changes nothing except your own understanding.
"""

import jax, jax.numpy as jnp
import numpy as np

N_DIMS = 2359296  # must be divisible by 512*3*3 for kaiming init view(512,-1,3,3)
DIM_WI = 1179648  # size of the target layer's parameter slice

def setup_inputs(seed: int = 0) -> dict:
    key = jax.random.key(seed)
    k_w, k_perm, k_mask = jax.random.split(key, 3)
    # kaiming_normal_ fan_out on view(512, -1, 3, 3): fan_out = 512*3*3 = 4608
    fan_out = 512 * 3 * 3
    gain = float(np.sqrt(2.0))  # relu nonlinearity
    std = gain / float(np.sqrt(fan_out))
    w = jax.random.normal(k_w, (N_DIMS,), dtype=jnp.float32) * std
    # p_idxs entry: permutation-style indices into w (finalize() draws from arange(n_dims) tiles, shuffled)
    perm_key = jax.random.randint(k_perm, (DIM_WI,), 0, N_DIMS).astype(jnp.int64)
    # b_masks entry: Rademacher +/-1 mask (binomial(p=0.5)*2 - 1)
    mask_key = (jax.random.randint(k_mask, (DIM_WI,), 0, 2).astype(jnp.float32) * 2.0 - 1.0)
    return {"w": w, "perm_key": perm_key, "mask_key": mask_key}

def reference(w, perm_key, mask_key):
    # forward(key_idx): return self.w[perm_key] * mask_key
    gathered = jnp.take(w, perm_key, axis=0)
    return gathered * mask_key

if __name__ == "__main__":
    import jax
    _d = setup_inputs()
    print(jax.jit(kernel)(*tuple(_d.values())))

</pallas_src>

<mosaic_0001>
#map = affine_map<(d0, d1) -> (0)>
module attributes {stable_mosaic.version = 14 : i64} {
  func.func @_body(%arg0: i32, %arg1: i32, %arg2: memref<2359296xf32, #tpu.memory_space<hbm>>, %arg3: memref<1179648xi32, #tpu.memory_space<hbm>>, %arg4: memref<1179648xf32, #tpu.memory_space<hbm>>, %arg5: memref<1179648xf32, #tpu.memory_space<hbm>>, %arg6: memref<36864xi32, #tpu.memory_space<vmem>>, %arg7: memref<36864xf32, #tpu.memory_space<vmem>>, %arg8: memref<36864xf32, #tpu.memory_space<vmem>>, %arg9: memref<!tpu.dma_semaphore, #tpu.memory_space<semaphore_mem>>, %arg10: memref<!tpu.dma_semaphore, #tpu.memory_space<semaphore_mem>>, %arg11: memref<!tpu.dma_semaphore, #tpu.memory_space<semaphore_mem>>) attributes {dimension_semantics = [#tpu.dimension_semantics<core_parallel>, #tpu.dimension_semantics<subcore_parallel>], iteration_bounds = array<i64: 2, 16>, scalar_prefetch = 0 : i64, scratch_operands = 6 : i64, tpu.core_type = #tpu.core_type<sc_vector_subcore>, window_params = [{transform_indices = #map}, {transform_indices = #map}, {transform_indices = #map}, {transform_indices = #map}]} {
    %mul3A = arith.constant 2 : i32
    %mul3A_0 = arith.muli %arg1, %mul3A : i32
    %add3A = arith.addi %mul3A_0, %arg0 : i32
    %mul3A_1 = arith.constant 36864 : i32
    %mul3A_2 = arith.muli %add3A, %mul3A_1 : i32
    %add3A_3 = arith.constant 0 : i32
    %add3A_4 = arith.addi %mul3A_2, %add3A_3 : i32
    %dma_start3A = arith.constant 0 : i32
    %dma_start3A_5 = tpu.memref_slice %arg6[%dma_start3A] : memref<36864xi32, #tpu.memory_space<vmem>> -> memref<3072xi32, #tpu.memory_space<vmem>>
    %dma_start3A_6 = tpu.memref_slice %arg3[%add3A_4] : memref<1179648xi32, #tpu.memory_space<hbm>> -> memref<3072xi32, #tpu.memory_space<hbm>>
    %dma_start3A_7 = arith.constant 0 : i32
    %dma_start3A_8 = tpu.memref_slice %arg6[%dma_start3A_7] : memref<36864xi32, #tpu.memory_space<vmem>> -> memref<3072xi32, #tpu.memory_space<vmem>>
    %dma_start3A_9 = tpu.memref_slice %arg3[%add3A_4] : memref<1179648xi32, #tpu.memory_space<hbm>> -> memref<3072xi32, #tpu.memory_space<hbm>>
    tpu.enqueue_dma source(%dma_start3A_9 : memref<3072xi32, #tpu.memory_space<hbm>>) target(%dma_start3A_8 : memref<3072xi32, #tpu.memory_space<vmem>>) target_semaphore(%arg9 : memref<!tpu.dma_semaphore, #tpu.memory_space<semaphore_mem>>)
    %add3A_10 = arith.constant 3072 : i32
    %add3A_11 = arith.addi %mul3A_2, %add3A_10 : i32
    %dma_start3A_12 = arith.constant 3072 : i32
    %dma_start3A_13 = tpu.memref_slice %arg6[%dma_start3A_12] : memref<36864xi32, #tpu.memory_space<vmem>> -> memref<14592xi32, #tpu.memory_space<vmem>>
    %dma_start3A_14 = tpu.memref_slice %arg3[%add3A_11] : memref<1179648xi32, #tpu.memory_space<hbm>> -> memref<14592xi32, #tpu.memory_space<hbm>>
    %dma_start3A_15 = arith.constant 3072 : i32
    %dma_start3A_16 = tpu.memref_slice %arg6[%dma_start3A_15] : memref<36864xi32, #tpu.memory_space<vmem>> -> memref<14592xi32, #tpu.memory_space<vmem>>
    %dma_start3A_17 = tpu.memref_slice %arg3[%add3A_11] : memref<1179648xi32, #tpu.memory_space<hbm>> -> memref<14592xi32, #tpu.memory_space<hbm>>
    tpu.enqueue_dma source(%dma_start3A_17 : memref<14592xi32, #tpu.memory_space<hbm>>) target(%dma_start3A_16 : memref<14592xi32, #tpu.memory_space<vmem>>) target_semaphore(%arg9 : memref<!tpu.dma_semaphore, #tpu.memory_space<semaphore_mem>>)
    %add3A_18 = arith.constant 17664 : i32
    %add3A_19 = arith.addi %mul3A_2, %add3A_18 : i32
    %dma_start3A_20 = arith.constant 17664 : i32
    %dma_start3A_21 = tpu.memref_slice %arg6[%dma_start3A_20] : memref<36864xi32, #tpu.memory_space<vmem>> -> memref<14592xi32, #tpu.memory_space<vmem>>
    %dma_start3A_22 = tpu.memref_slice %arg3[%add3A_19] : memref<1179648xi32, #tpu.memory_space<hbm>> -> memref<14592xi32, #tpu.memory_space<hbm>>
    %dma_start3A_23 = arith.constant 17664 : i32
    %dma_start3A_24 = tpu.memref_slice %arg6[%dma_start3A_23] : memref<36864xi32, #tpu.memory_space<vmem>> -> memref<14592xi32, #tpu.memory_space<vmem>>
    %dma_start3A_25 = tpu.memref_slice %arg3[%add3A_19] : memref<1179648xi32, #tpu.memory_space<hbm>> -> memref<14592xi32, #tpu.memory_space<hbm>>
    tpu.enqueue_dma source(%dma_start3A_25 : memref<14592xi32, #tpu.memory_space<hbm>>) target(%dma_start3A_24 : memref<14592xi32, #tpu.memory_space<vmem>>) target_semaphore(%arg9 : memref<!tpu.dma_semaphore, #tpu.memory_space<semaphore_mem>>)
    %add3A_26 = arith.constant 32256 : i32
    %add3A_27 = arith.addi %mul3A_2, %add3A_26 : i32
    %dma_start3A_28 = arith.constant 32256 : i32
    %dma_start3A_29 = tpu.memref_slice %arg6[%dma_start3A_28] : memref<36864xi32, #tpu.memory_space<vmem>> -> memref<4608xi32, #tpu.memory_space<vmem>>
    %dma_start3A_30 = tpu.memref_slice %arg3[%add3A_27] : memref<1179648xi32, #tpu.memory_space<hbm>> -> memref<4608xi32, #tpu.memory_space<hbm>>
    %dma_start3A_31 = arith.constant 32256 : i32
    %dma_start3A_32 = tpu.memref_slice %arg6[%dma_start3A_31] : memref<36864xi32, #tpu.memory_space<vmem>> -> memref<4608xi32, #tpu.memory_space<vmem>>
    %dma_start3A_33 = tpu.memref_slice %arg3[%add3A_27] : memref<1179648xi32, #tpu.memory_space<hbm>> -> memref<4608xi32, #tpu.memory_space<hbm>>
    tpu.enqueue_dma source(%dma_start3A_33 : memref<4608xi32, #tpu.memory_space<hbm>>) target(%dma_start3A_32 : memref<4608xi32, #tpu.memory_space<vmem>>) target_semaphore(%arg9 : memref<!tpu.dma_semaphore, #tpu.memory_space<semaphore_mem>>)
    %dma_start3A_34 = tpu.memref_slice %arg4[%mul3A_2] : memref<1179648xf32, #tpu.memory_space<hbm>> -> memref<36864xf32, #tpu.memory_space<hbm>>
    %dma_start3A_35 = tpu.memref_slice %arg4[%mul3A_2] : memref<1179648xf32, #tpu.memory_space<hbm>> -> memref<36864xf32, #tpu.memory_space<hbm>>
    tpu.enqueue_dma source(%dma_start3A_35 : memref<36864xf32, #tpu.memory_space<hbm>>) target(%arg8 : memref<36864xf32, #tpu.memory_space<vmem>>) target_semaphore(%arg11 : memref<!tpu.dma_semaphore, #tpu.memory_space<semaphore_mem>>)
    %dma_wait3A = arith.constant 0 : i32
    %dma_wait3A_36 = tpu.memref_slice %arg6[%dma_wait3A] : memref<36864xi32, #tpu.memory_space<vmem>> -> memref<3072xi32, #tpu.memory_space<vmem>>
    %dma_wait3A_37 = tpu.memref_slice %arg3[%add3A_4] : memref<1179648xi32, #tpu.memory_space<hbm>> -> memref<3072xi32, #tpu.memory_space<hbm>>
    %dma_wait3A_38 = arith.constant 0 : i32
    %dma_wait3A_39 = tpu.memref_slice %arg6[%dma_wait3A_38] : memref<36864xi32, #tpu.memory_space<vmem>> -> memref<3072xi32, #tpu.memory_space<vmem>>
    %dma_wait3A_40 = tpu.memref_slice %arg3[%add3A_4] : memref<1179648xi32, #tpu.memory_space<hbm>> -> memref<3072xi32, #tpu.memory_space<hbm>>
    tpu.wait_dma2 semaphore(%arg9 : memref<!tpu.dma_semaphore, #tpu.memory_space<semaphore_mem>>) src(%dma_wait3A_40 : memref<3072xi32, #tpu.memory_space<hbm>>) dst(%dma_wait3A_39 : memref<3072xi32, #tpu.memory_space<vmem>>)
    %dma_start3A_41 = arith.constant 0 : i32
    %dma_start3A_42 = tpu.memref_slice %arg7[%dma_start3A_41] : memref<36864xf32, #tpu.memory_space<vmem>> -> memref<3072xf32, #tpu.memory_space<vmem>>
    %dma_start3A_43 = arith.constant 0 : i32
    %dma_start3A_44 = tpu.memref_slice %arg6[%dma_start3A_43] : memref<36864xi32, #tpu.memory_space<vmem>> -> memref<3072xi32, #tpu.memory_space<vmem>>
    %dma_start3A_45 = arith.constant 0 : i32
    %dma_start3A_46 = tpu.memref_slice %arg2[%dma_start3A_45] : memref<2359296xf32, #tpu.memory_space<hbm>> -> memref<2359296xf32, #tpu.memory_space<hbm>>
    tpu.enqueue_indirect_dma source(%dma_start3A_46 : memref<2359296xf32, #tpu.memory_space<hbm>>) target(%dma_start3A_42 : memref<3072xf32, #tpu.memory_space<vmem>>) offsets(%dma_start3A_44 : memref<3072xi32, #tpu.memory_space<vmem>>) semaphore(%arg10 : memref<!tpu.dma_semaphore, #tpu.memory_space<semaphore_mem>>)
    %dma_wait3A_47 = arith.constant 3072 : i32
    %dma_wait3A_48 = tpu.memref_slice %arg6[%dma_wait3A_47] : memref<36864xi32, #tpu.memory_space<vmem>> -> memref<14592xi32, #tpu.memory_space<vmem>>
    %dma_wait3A_49 = tpu.memref_slice %arg3[%add3A_11] : memref<1179648xi32, #tpu.memory_space<hbm>> -> memref<14592xi32, #tpu.memory_space<hbm>>
    %dma_wait3A_50 = arith.constant 3072 : i32
    %dma_wait3A_51 = tpu.memref_slice %arg6[%dma_wait3A_50] : memref<36864xi32, #tpu.memory_space<vmem>> -> memref<14592xi32, #tpu.memory_space<vmem>>
    %dma_wait3A_52 = tpu.memref_slice %arg3[%add3A_11] : memref<1179648xi32, #tpu.memory_space<hbm>> -> memref<14592xi32, #tpu.memory_space<hbm>>
    tpu.wait_dma2 semaphore(%arg9 : memref<!tpu.dma_semaphore, #tpu.memory_space<semaphore_mem>>) src(%dma_wait3A_52 : memref<14592xi32, #tpu.memory_space<hbm>>) dst(%dma_wait3A_51 : memref<14592xi32, #tpu.memory_space<vmem>>)
    %dma_start3A_53 = arith.constant 3072 : i32
    %dma_start3A_54 = tpu.memref_slice %arg7[%dma_start3A_53] : memref<36864xf32, #tpu.memory_space<vmem>> -> memref<14592xf32, #tpu.memory_space<vmem>>
    %dma_start3A_55 = arith.constant 3072 : i32
    %dma_start3A_56 = tpu.memref_slice %arg6[%dma_start3A_55] : memref<36864xi32, #tpu.memory_space<vmem>> -> memref<14592xi32, #tpu.memory_space<vmem>>
    %dma_start3A_57 = arith.constant 0 : i32
    %dma_start3A_58 = tpu.memref_slice %arg2[%dma_start3A_57] : memref<2359296xf32, #tpu.memory_space<hbm>> -> memref<2359296xf32, #tpu.memory_space<hbm>>
    tpu.enqueue_indirect_dma source(%dma_start3A_58 : memref<2359296xf32, #tpu.memory_space<hbm>>) target(%dma_start3A_54 : memref<14592xf32, #tpu.memory_space<vmem>>) offsets(%dma_start3A_56 : memref<14592xi32, #tpu.memory_space<vmem>>) semaphore(%arg10 : memref<!tpu.dma_semaphore, #tpu.memory_space<semaphore_mem>>)
    %dma_wait3A_59 = tpu.memref_slice %arg4[%mul3A_2] : memref<1179648xf32, #tpu.memory_space<hbm>> -> memref<36864xf32, #tpu.memory_space<hbm>>
    %dma_wait3A_60 = tpu.memref_slice %arg4[%mul3A_2] : memref<1179648xf32, #tpu.memory_space<hbm>> -> memref<36864xf32, #tpu.memory_space<hbm>>
    tpu.wait_dma2 semaphore(%arg11 : memref<!tpu.dma_semaphore, #tpu.memory_space<semaphore_mem>>) src(%dma_wait3A_60 : memref<36864xf32, #tpu.memory_space<hbm>>) dst(%arg8 : memref<36864xf32, #tpu.memory_space<vmem>>)
    %dma_wait3A_61 = arith.constant 0 : i32
    %dma_wait3A_62 = tpu.memref_slice %arg7[%dma_wait3A_61] : memref<36864xf32, #tpu.memory_space<vmem>> -> memref<3072xf32, #tpu.memory_space<vmem>>
    %dma_wait3A_63 = arith.constant 0 : i32
    %dma_wait3A_64 = tpu.memref_slice %arg6[%dma_wait3A_63] : memref<36864xi32, #tpu.memory_space<vmem>> -> memref<3072xi32, #tpu.memory_space<vmem>>
    %dma_wait3A_65 = arith.constant 0 : i32
    %dma_wait3A_66 = tpu.memref_slice %arg2[%dma_wait3A_65] : memref<2359296xf32, #tpu.memory_space<hbm>> -> memref<2359296xf32, #tpu.memory_space<hbm>>
    tpu.wait_indirect_dma semaphore(%arg10 : memref<!tpu.dma_semaphore, #tpu.memory_space<semaphore_mem>>) src(%dma_wait3A_66 : memref<2359296xf32, #tpu.memory_space<hbm>>) dst(%dma_wait3A_62 : memref<3072xf32, #tpu.memory_space<vmem>>)
    %scan3A = arith.constant 0 : i32
    %scan3A_67 = arith.constant 0 : i32
    %scan3A_68 = arith.constant 192 : i32
    %scan3A_69 = arith.addi %scan3A_67, %scan3A_68 : i32
    %scan3A_70 = arith.constant 8 : i32
    scf.for %scan3A_188 = %scan3A_67 to %scan3A_69 step %scan3A_70  : i32 {
      %mul3A_189 = arith.constant 16 : i32
      %mul3A_190 = arith.muli %scan3A_188, %mul3A_189 : i32
      %add3A_191 = arith.constant 0 : i32
      %add3A_192 = arith.addi %add3A_191, %mul3A_190 : i32
      %get3A = arith.index_cast %add3A_192 : i32 to index
      %get3A_193 = tpu.vector_load %arg7[%get3A] {strides = array<i32>} : memref<36864xf32, #tpu.memory_space<vmem>>, vector<16xf32>,
      %get3A_194 = vector.shape_cast %get3A_193 : vector<16xf32> to vector<16xf32>
      %get3A_195 = arith.index_cast %add3A_192 : i32 to index
      %get3A_196 = tpu.vector_load %arg8[%get3A_195] {strides = array<i32>} : memref<36864xf32, #tpu.memory_space<vmem>>, vector<16xf32>,
      %get3A_197 = vector.shape_cast %get3A_196 : vector<16xf32> to vector<16xf32>
      %mul3A_198 = arith.mulf %get3A_194, %get3A_197 : vector<16xf32>
      %swap3A = arith.index_cast %add3A_192 : i32 to index
      %swap3A_199 = tpu.vector_load %arg7[%swap3A] {strides = array<i32>} : memref<36864xf32, #tpu.memory_space<vmem>>, vector<16xf32>,
      %swap3A_200 = vector.shape_cast %swap3A_199 : vector<16xf32> to vector<16xf32>
      %swap3A_201 = vector.shape_cast %mul3A_198 : vector<16xf32> to vector<16xf32>
      tpu.vector_store %arg7[%swap3A], %swap3A_201 {strides = array<i32>} : memref<36864xf32, #tpu.memory_space<vmem>>, vector<16xf32>,
      %scan3A_202 = arith.constant 1 : i32
      %scan3A_203 = arith.addi %scan3A_188, %scan3A_202 : i32
      %mul3A_204 = arith.constant 16 : i32
      %mul3A_205 = arith.muli %scan3A_203, %mul3A_204 : i32
      %add3A_206 = arith.constant 0 : i32
      %add3A_207 = arith.addi %add3A_206, %mul3A_205 : i32
      %get3A_208 = arith.index_cast %add3A_207 : i32 to index
      %get3A_209 = tpu.vector_load %arg7[%get3A_208] {strides = array<i32>} : memref<36864xf32, #tpu.memory_space<vmem>>, vector<16xf32>,
      %get3A_210 = vector.shape_cast %get3A_209 : vector<16xf32> to vector<16xf32>
      %get3A_211 = arith.index_cast %add3A_207 : i32 to index
      %get3A_212 = tpu.vector_load %arg8[%get3A_211] {strides = array<i32>} : memref<36864xf32, #tpu.memory_space<vmem>>, vector<16xf32>,
      %get3A_213 = vector.shape_cast %get3A_212 : vector<16xf32> to vector<16xf32>
      %mul3A_214 = arith.mulf %get3A_210, %get3A_213 : vector<16xf32>
      %swap3A_215 = arith.index_cast %add3A_207 : i32 to index
      %swap3A_216 = tpu.vector_load %arg7[%swap3A_215] {strides = array<i32>} : memref<36864xf32, #tpu.memory_space<vmem>>, vector<16xf32>,
      %swap3A_217 = vector.shape_cast %swap3A_216 : vector<16xf32> to vector<16xf32>
      %swap3A_218 = vector.shape_cast %mul3A_214 : vector<16xf32> to vector<16xf32>
      tpu.vector_store %arg7[%swap3A_215], %swap3A_218 {strides = array<i32>} : memref<36864xf32, #tpu.memory_space<vmem>>, vector<16xf32>,
      %scan3A_219 = arith.constant 2 : i32
      %scan3A_220 = arith.addi %scan3A_188, %scan3A_219 : i32
      %mul3A_221 = arith.constant 16 : i32
      %mul3A_222 = arith.muli %scan3A_220, %mul3A_221 : i32
      %add3A_223 = arith.constant 0 : i32
      %add3A_224 = arith.addi %add3A_223, %mul3A_222 : i32
      %get3A_225 = arith.index_cast %add3A_224 : i32 to index
      %get3A_226 = tpu.vector_load %arg7[%get3A_225] {strides = array<i32>} : memref<36864xf32, #tpu.memory_space<vmem>>, vector<16xf32>,
      %get3A_227 = vector.shape_cast %get3A_226 : vector<16xf32> to vector<16xf32>
      %get3A_228 = arith.index_cast %add3A_224 : i32 to index
      %get3A_229 = tpu.vector_load %arg8[%get3A_228] {strides = array<i32>} : memref<36864xf32, #tpu.memory_space<vmem>>, vector<16xf32>,
      %get3A_230 = vector.shape_cast %get3A_229 : vector<16xf32> to vector<16xf32>
      %mul3A_231 = arith.mulf %get3A_227, %get3A_230 : vector<16xf32>
      %swap3A_232 = arith.index_cast %add3A_224 : i32 to index
      %swap3A_233 = tpu.vector_load %arg7[%swap3A_232] {strides = array<i32>} : memref<36864xf32, #tpu.memory_space<vmem>>, vector<16xf32>,
      %swap3A_234 = vector.shape_cast %swap3A_233 : vector<16xf32> to vector<16xf32>
      %swap3A_235 = vector.shape_cast %mul3A_231 : vector<16xf32> to vector<16xf32>
      tpu.vector_store %arg7[%swap3A_232], %swap3A_235 {strides = array<i32>} : memref<36864xf32, #tpu.memory_space<vmem>>, vector<16xf32>,
      %scan3A_236 = arith.constant 3 : i32
      %scan3A_237 = arith.addi %scan3A_188, %scan3A_236 : i32
      %mul3A_238 = arith.constant 16 : i32
      %mul3A_239 = arith.muli %scan3A_237, %mul3A_238 : i32
      %add3A_240 = arith.constant 0 : i32
      %add3A_241 = arith.addi %add3A_240, %mul3A_239 : i32
      %get3A_242 = arith.index_cast %add3A_241 : i32 to index
      %get3A_243 = tpu.vector_load %arg7[%get3A_242] {strides = array<i32>} : memref<36864xf32, #tpu.memory_space<vmem>>, vector<16xf32>,
      %get3A_244 = vector.shape_cast %get3A_243 : vector<16xf32> to vector<16xf32>
      %get3A_245 = arith.index_cast %add3A_241 : i32 to index
      %get3A_246 = tpu.vector_load %arg8[%get3A_245] {strides = array<i32>} : memref<36864xf32, #tpu.memory_space<vmem>>, vector<16xf32>,
      %get3A_247 = vector.shape_cast %get3A_246 : vector<16xf32> to vector<16xf32>
      %mul3A_248 = arith.mulf %get3A_244, %get3A_247 : vector<16xf32>
      %swap3A_249 = arith.index_cast %add3A_241 : i32 to index
      %swap3A_250 = tpu.vector_load %arg7[%swap3A_249] {strides = array<i32>} : memref<36864xf32, #tpu.memory_space<vmem>>, vector<16xf32>,
      %swap3A_251 = vector.shape_cast %swap3A_250 : vector<16xf32> to vector<16xf32>
      %swap3A_252 = vector.shape_cast %mul3A_248 : vector<16xf32> to vector<16xf32>
      tpu.vector_store %arg7[%swap3A_249], %swap3A_252 {strides = array<i32>} : memref<36864xf32, #tpu.memory_space<vmem>>, vector<16xf32>,
      %scan3A_253 = arith.constant 4 : i32
      %scan3A_254 = arith.addi %scan3A_188, %scan3A_253 : i32
      %mul3A_255 = arith.constant 16 : i32
      %mul3A_256 = arith.muli %scan3A_254, %mul3A_255 : i32
      %add3A_257 = arith.constant 0 : i32
      %add3A_258 = arith.addi %add3A_257, %mul3A_256 : i32
      %get3A_259 = arith.index_cast %add3A_258 : i32 to index
      %get3A_260 = tpu.vector_load %arg7[%get3A_259] {strides = array<i32>} : memref<36864xf32, #tpu.memory_space<vmem>>, vector<16xf32>,
      %get3A_261 = vector.shape_cast %get3A_260 : vector<16xf32> to vector<16xf32>
      %get3A_262 = arith.index_cast %add3A_258 : i32 to index
      %get3A_263 = tpu.vector_load %arg8[%get3A_262] {strides = array<i32>} : memref<36864xf32, #tpu.memory_space<vmem>>, vector<16xf32>,
      %get3A_264 = vector.shape_cast %get3A_263 : vector<16xf32> to vector<16xf32>
      %mul3A_265 = arith.mulf %get3A_261, %get3A_264 : vector<16xf32>
      %swap3A_266 = arith.index_cast %add3A_258 : i32 to index
      %swap3A_267 = tpu.vector_load %arg7[%swap3A_266] {strides = array<i32>} : memref<36864xf32, #tpu.memory_space<vmem>>, vector<16xf32>,
      %swap3A_268 = vector.shape_cast %swap3A_267 : vector<16xf32> to vector<16xf32>
      %swap3A_269 = vector.shape_cast %mul3A_265 : vector<16xf32> to vector<16xf32>
      tpu.vector_store %arg7[%swap3A_266], %swap3A_269 {strides = array<i32>} : memref<36864xf32, #tpu.memory_space<vmem>>, vector<16xf32>,
      %scan3A_270 = arith.constant 5 : i32
      %scan3A_271 = arith.addi %scan3A_188, %scan3A_270 : i32
      %mul3A_272 = arith.constant 16 : i32
      %mul3A_273 = arith.muli %scan3A_271, %mul3A_272 : i32
      %add3A_274 = arith.constant 0 : i32
      %add3A_275 = arith.addi %add3A_274, %mul3A_273 : i32
      %get3A_276 = arith.index_cast %add3A_275 : i32 to index
      %get3A_277 = tpu.vector_load %arg7[%get3A_276] {strides = array<i32>} : memref<36864xf32, #tpu.memory_space<vmem>>, vector<16xf32>,
      %get3A_278 = vector.shape_cast %get3A_277 : vector<16xf32> to vector<16xf32>
      %get3A_279 = arith.index_cast %add3A_275 : i32 to index
      %get3A_280 = tpu.vector_load %arg8[%get3A_279] {strides = array<i32>} : memref<36864xf32, #tpu.memory_space<vmem>>, vector<16xf32>,
      %get3A_281 = vector.shape_cast %get3A_280 : vector<16xf32> to vector<16xf32>
      %mul3A_282 = arith.mulf %get3A_278, %get3A_281 : vector<16xf32>
      %swap3A_283 = arith.index_cast %add3A_275 : i32 to index
      %swap3A_284 = tpu.vector_load %arg7[%swap3A_283] {strides = array<i32>} : memref<36864xf32, #tpu.memory_space<vmem>>, vector<16xf32>,
      %swap3A_285 = vector.shape_cast %swap3A_284 : vector<16xf32> to vector<16xf32>
      %swap3A_286 = vector.shape_cast %mul3A_282 : vector<16xf32> to vector<16xf32>
      tpu.vector_store %arg7[%swap3A_283], %swap3A_286 {strides = array<i32>} : memref<36864xf32, #tpu.memory_space<vmem>>, vector<16xf32>,
      %scan3A_287 = arith.constant 6 : i32
      %scan3A_288 = arith.addi %scan3A_188, %scan3A_287 : i32
      %mul3A_289 = arith.constant 16 : i32
      %mul3A_290 = arith.muli %scan3A_288, %mul3A_289 : i32
      %add3A_291 = arith.constant 0 : i32
      %add3A_292 = arith.addi %add3A_291, %mul3A_290 : i32
      %get3A_293 = arith.index_cast %add3A_292 : i32 to index
      %get3A_294 = tpu.vector_load %arg7[%get3A_293] {strides = array<i32>} : memref<36864xf32, #tpu.memory_space<vmem>>, vector<16xf32>,
      %get3A_295 = vector.shape_cast %get3A_294 : vector<16xf32> to vector<16xf32>
      %get3A_296 = arith.index_cast %add3A_292 : i32 to index
      %get3A_297 = tpu.vector_load %arg8[%get3A_296] {strides = array<i32>} : memref<36864xf32, #tpu.memory_space<vmem>>, vector<16xf32>,
      %get3A_298 = vector.shape_cast %get3A_297 : vector<16xf32> to vector<16xf32>
      %mul3A_299 = arith.mulf %get3A_295, %get3A_298 : vector<16xf32>
      %swap3A_300 = arith.index_cast %add3A_292 : i32 to index
      %swap3A_301 = tpu.vector_load %arg7[%swap3A_300] {strides = array<i32>} : memref<36864xf32, #tpu.memory_space<vmem>>, vector<16xf32>,
      %swap3A_302 = vector.shape_cast %swap3A_301 : vector<16xf32> to vector<16xf32>
      %swap3A_303 = vector.shape_cast %mul3A_299 : vector<16xf32> to vector<16xf32>
      tpu.vector_store %arg7[%swap3A_300], %swap3A_303 {strides = array<i32>} : memref<36864xf32, #tpu.memory_space<vmem>>, vector<16xf32>,
      %scan3A_304 = arith.constant 7 : i32
      %scan3A_305 = arith.addi %scan3A_188, %scan3A_304 : i32
      %mul3A_306 = arith.constant 16 : i32
      %mul3A_307 = arith.muli %scan3A_305, %mul3A_306 : i32
      %add3A_308 = arith.constant 0 : i32
      %add3A_309 = arith.addi %add3A_308, %mul3A_307 : i32
      %get3A_310 = arith.index_cast %add3A_309 : i32 to index
      %get3A_311 = tpu.vector_load %arg7[%get3A_310] {strides = array<i32>} : memref<36864xf32, #tpu.memory_space<vmem>>, vector<16xf32>,
      %get3A_312 = vector.shape_cast %get3A_311 : vector<16xf32> to vector<16xf32>
      %get3A_313 = arith.index_cast %add3A_309 : i32 to index
      %get3A_314 = tpu.vector_load %arg8[%get3A_313] {strides = array<i32>} : memref<36864xf32, #tpu.memory_space<vmem>>, vector<16xf32>,
      %get3A_315 = vector.shape_cast %get3A_314 : vector<16xf32> to vector<16xf32>
      %mul3A_316 = arith.mulf %get3A_312, %get3A_315 : vector<16xf32>
      %swap3A_317 = arith.index_cast %add3A_309 : i32 to index
      %swap3A_318 = tpu.vector_load %arg7[%swap3A_317] {strides = array<i32>} : memref<36864xf32, #tpu.memory_space<vmem>>, vector<16xf32>,
      %swap3A_319 = vector.shape_cast %swap3A_318 : vector<16xf32> to vector<16xf32>
      %swap3A_320 = vector.shape_cast %mul3A_316 : vector<16xf32> to vector<16xf32>
      tpu.vector_store %arg7[%swap3A_317], %swap3A_320 {strides = array<i32>} : memref<36864xf32, #tpu.memory_space<vmem>>, vector<16xf32>,
    }
    %scan3A_71 = arith.constant 192 : i32
    %add3A_72 = arith.constant 0 : i32
    %add3A_73 = arith.addi %mul3A_2, %add3A_72 : i32
    %dma_start3A_74 = arith.constant 0 : i32
    %dma_start3A_75 = tpu.memref_slice %arg7[%dma_start3A_74] : memref<36864xf32, #tpu.memory_space<vmem>> -> memref<3072xf32, #tpu.memory_space<vmem>>
    %dma_start3A_76 = tpu.memref_slice %arg5[%add3A_73] : memref<1179648xf32, #tpu.memory_space<hbm>> -> memref<3072xf32, #tpu.memory_space<hbm>>
    %dma_start3A_77 = tpu.memref_slice %arg5[%add3A_73] : memref<1179648xf32, #tpu.memory_space<hbm>> -> memref<3072xf32, #tpu.memory_space<hbm>>
    %dma_start3A_78 = arith.constant 0 : i32
    %dma_start3A_79 = tpu.memref_slice %arg7[%dma_start3A_78] : memref<36864xf32, #tpu.memory_space<vmem>> -> memref<3072xf32, #tpu.memory_space<vmem>>
    tpu.enqueue_dma source(%dma_start3A_79 : memref<3072xf32, #tpu.memory_space<vmem>>) target(%dma_start3A_77 : memref<3072xf32, #tpu.memory_space<hbm>>) target_semaphore(%arg11 : memref<!tpu.dma_semaphore, #tpu.memory_space<semaphore_mem>>)
    %dma_wait3A_80 = arith.constant 17664 : i32
    %dma_wait3A_81 = tpu.memref_slice %arg6[%dma_wait3A_80] : memref<36864xi32, #tpu.memory_space<vmem>> -> memref<14592xi32, #tpu.memory_space<vmem>>
    %dma_wait3A_82 = tpu.memref_slice %arg3[%add3A_19] : memref<1179648xi32, #tpu.memory_space<hbm>> -> memref<14592xi32, #tpu.memory_space<hbm>>
    %dma_wait3A_83 = arith.constant 17664 : i32
    %dma_wait3A_84 = tpu.memref_slice %arg6[%dma_wait3A_83] : memref<36864xi32, #tpu.memory_space<vmem>> -> memref<14592xi32, #tpu.memory_space<vmem>>
    %dma_wait3A_85 = tpu.memref_slice %arg3[%add3A_19] : memref<1179648xi32, #tpu.memory_space<hbm>> -> memref<14592xi32, #tpu.memory_space<hbm>>
    tpu.wait_dma2 semaphore(%arg9 : memref<!tpu.dma_semaphore, #tpu.memory_space<semaphore_mem>>) src(%dma_wait3A_85 : memref<14592xi32, #tpu.memory_space<hbm>>) dst(%dma_wait3A_84 : memref<14592xi32, #tpu.memory_space<vmem>>)
    %dma_start3A_86 = arith.constant 17664 : i32
    %dma_start3A_87 = tpu.memref_slice %arg7[%dma_start3A_86] : memref<36864xf32, #tpu.memory_space<vmem>> -> memref<14592xf32, #tpu.memory_space<vmem>>
    %dma_start3A_88 = arith.constant 17664 : i32
    %dma_start3A_89 = tpu.memref_slice %arg6[%dma_start3A_88] : memref<36864xi32, #tpu.memory_space<vmem>> -> memref<14592xi32, #tpu.memory_space<vmem>>
    %dma_start3A_90 = arith.constant 0 : i32
    %dma_start3A_91 = tpu.memref_slice %arg2[%dma_start3A_90] : memref<2359296xf32, #tpu.memory_space<hbm>> -> memref<2359296xf32, #tpu.memory_space<hbm>>
    tpu.enqueue_indirect_dma source(%dma_start3A_91 : memref<2359296xf32, #tpu.memory_space<hbm>>) target(%dma_start3A_87 : memref<14592xf32, #tpu.memory_space<vmem>>) offsets(%dma_start3A_89 : memref<14592xi32, #tpu.memory_space<vmem>>) semaphore(%arg10 : memref<!tpu.dma_semaphore, #tpu.memory_space<semaphore_mem>>)
    %dma_wait3A_92 = arith.constant 3072 : i32
    %dma_wait3A_93 = tpu.memref_slice %arg7[%dma_wait3A_92] : memref<36864xf32, #tpu.memory_space<vmem>> -> memref<14592xf32, #tpu.memory_space<vmem>>
    %dma_wait3A_94 = arith.constant 3072 : i32
    %dma_wait3A_95 = tpu.memref_slice %arg6[%dma_wait3A_94] : memref<36864xi32, #tpu.memory_space<vmem>> -> memref<14592xi32, #tpu.memory_space<vmem>>
    %dma_wait3A_96 = arith.constant 0 : i32
    %dma_wait3A_97 = tpu.memref_slice %arg2[%dma_wait3A_96] : memref<2359296xf32, #tpu.memory_space<hbm>> -> memref<2359296xf32, #tpu.memory_space<hbm>>
    tpu.wait_indirect_dma semaphore(%arg10 : memref<!tpu.dma_semaphore, #tpu.memory_space<semaphore_mem>>) src(%dma_wait3A_97 : memref<2359296xf32, #tpu.memory_space<hbm>>) dst(%dma_wait3A_93 : memref<14592xf32, #tpu.memory_space<vmem>>)
    %scan3A_98 = arith.constant 0 : i32
    %scan3A_99 = arith.constant 0 : i32
    %scan3A_100 = arith.constant 912 : i32
    %scan3A_101 = arith.addi %scan3A_99, %scan3A_100 : i32
    %scan3A_102 = arith.constant 8 : i32
    scf.for %scan3A_188 = %scan3A_99 to %scan3A_101 step %scan3A_102  : i32 {
      %mul3A_189 = arith.constant 16 : i32
      %mul3A_190 = arith.muli %scan3A_188, %mul3A_189 : i32
      %add3A_191 = arith.constant 3072 : i32
      %add3A_192 = arith.addi %add3A_191, %mul3A_190 : i32
      %get3A = arith.index_cast %add3A_192 : i32 to index
      %get3A_193 = tpu.vector_load %arg7[%get3A] {strides = array<i32>} : memref<36864xf32, #tpu.memory_space<vmem>>, vector<16xf32>,
      %get3A_194 = vector.shape_cast %get3A_193 : vector<16xf32> to vector<16xf32>
      %get3A_195 = arith.index_cast %add3A_192 : i32 to index
      %get3A_196 = tpu.vector_load %arg8[%get3A_195] {strides = array<i32>} : memref<36864xf32, #tpu.memory_space<vmem>>, vector<16xf32>,
      %get3A_197 = vector.shape_cast %get3A_196 : vector<16xf32> to vector<16xf32>
      %mul3A_198 = arith.mulf %get3A_194, %get3A_197 : vector<16xf32>
      %swap3A = arith.index_cast %add3A_192 : i32 to index
      %swap3A_199 = tpu.vector_load %arg7[%swap3A] {strides = array<i32>} : memref<36864xf32, #tpu.memory_space<vmem>>, vector<16xf32>,
      %swap3A_200 = vector.shape_cast %swap3A_199 : vector<16xf32> to vector<16xf32>
      %swap3A_201 = vector.shape_cast %mul3A_198 : vector<16xf32> to vector<16xf32>
      tpu.vector_store %arg7[%swap3A], %swap3A_201 {strides = array<i32>} : memref<36864xf32, #tpu.memory_space<vmem>>, vector<16xf32>,
      %scan3A_202 = arith.constant 1 : i32
      %scan3A_203 = arith.addi %scan3A_188, %scan3A_202 : i32
      %mul3A_204 = arith.constant 16 : i32
      %mul3A_205 = arith.muli %scan3A_203, %mul3A_204 : i32
      %add3A_206 = arith.constant 3072 : i32
      %add3A_207 = arith.addi %add3A_206, %mul3A_205 : i32
      %get3A_208 = arith.index_cast %add3A_207 : i32 to index
      %get3A_209 = tpu.vector_load %arg7[%get3A_208] {strides = array<i32>} : memref<36864xf32, #tpu.memory_space<vmem>>, vector<16xf32>,
      %get3A_210 = vector.shape_cast %get3A_209 : vector<16xf32> to vector<16xf32>
      %get3A_211 = arith.index_cast %add3A_207 : i32 to index
      %get3A_212 = tpu.vector_load %arg8[%get3A_211] {strides = array<i32>} : memref<36864xf32, #tpu.memory_space<vmem>>, vector<16xf32>,
      %get3A_213 = vector.shape_cast %get3A_212 : vector<16xf32> to vector<16xf32>
      %mul3A_214 = arith.mulf %get3A_210, %get3A_213 : vector<16xf32>
      %swap3A_215 = arith.index_cast %add3A_207 : i32 to index
      %swap3A_216 = tpu.vector_load %arg7[%swap3A_215] {strides = array<i32>} : memref<36864xf32, #tpu.memory_space<vmem>>, vector<16xf32>,
      %swap3A_217 = vector.shape_cast %swap3A_216 : vector<16xf32> to vector<16xf32>
      %swap3A_218 = vector.shape_cast %mul3A_214 : vector<16xf32> to vector<16xf32>
      tpu.vector_store %arg7[%swap3A_215], %swap3A_218 {strides = array<i32>} : memref<36864xf32, #tpu.memory_space<vmem>>, vector<16xf32>,
      %scan3A_219 = arith.constant 2 : i32
      %scan3A_220 = arith.addi %scan3A_188, %scan3A_219 : i32
      %mul3A_221 = arith.constant 16 : i32
      %mul3A_222 = arith.muli %scan3A_220, %mul3A_221 : i32
      %add3A_223 = arith.constant 3072 : i32
      %add3A_224 = arith.addi %add3A_223, %mul3A_222 : i32
      %get3A_225 = arith.index_cast %add3A_224 : i32 to index
      %get3A_226 = tpu.vector_load %arg7[%get3A_225] {strides = array<i32>} : memref<36864xf32, #tpu.memory_space<vmem>>, vector<16xf32>,
      %get3A_227 = vector.shape_cast %get3A_226 : vector<16xf32> to vector<16xf32>
      %get3A_228 = arith.index_cast %add3A_224 : i32 to index
      %get3A_229 = tpu.vector_load %arg8[%get3A_228] {strides = array<i32>} : memref<36864xf32, #tpu.memory_space<vmem>>, vector<16xf32>,
      %get3A_230 = vector.shape_cast %get3A_229 : vector<16xf32> to vector<16xf32>
      %mul3A_231 = arith.mulf %get3A_227, %get3A_230 : vector<16xf32>
      %swap3A_232 = arith.index_cast %add3A_224 : i32 to index
      %swap3A_233 = tpu.vector_load %arg7[%swap3A_232] {strides = array<i32>} : memref<36864xf32, #tpu.memory_space<vmem>>, vector<16xf32>,
      %swap3A_234 = vector.shape_cast %swap3A_233 : vector<16xf32> to vector<16xf32>
      %swap3A_235 = vector.shape_cast %mul3A_231 : vector<16xf32> to vector<16xf32>
      tpu.vector_store %arg7[%swap3A_232], %swap3A_235 {strides = array<i32>} : memref<36864xf32, #tpu.memory_space<vmem>>, vector<16xf32>,
      %scan3A_236 = arith.constant 3 : i32
      %scan3A_237 = arith.addi %scan3A_188, %scan3A_236 : i32
      %mul3A_238 = arith.constant 16 : i32
      %mul3A_239 = arith.muli %scan3A_237, %mul3A_238 : i32
      %add3A_240 = arith.constant 3072 : i32
      %add3A_241 = arith.addi %add3A_240, %mul3A_239 : i32
      %get3A_242 = arith.index_cast %add3A_241 : i32 to index
      %get3A_243 = tpu.vector_load %arg7[%get3A_242] {strides = array<i32>} : memref<36864xf32, #tpu.memory_space<vmem>>, vector<16xf32>,
      %get3A_244 = vector.shape_cast %get3A_243 : vector<16xf32> to vector<16xf32>
      %get3A_245 = arith.index_cast %add3A_241 : i32 to index
      %get3A_246 = tpu.vector_load %arg8[%get3A_245] {strides = array<i32>} : memref<36864xf32, #tpu.memory_space<vmem>>, vector<16xf32>,
      %get3A_247 = vector.shape_cast %get3A_246 : vector<16xf32> to vector<16xf32>
      %mul3A_248 = arith.mulf %get3A_244, %get3A_247 : vector<16xf32>
      %swap3A_249 = arith.index_cast %add3A_241 : i32 to index
      %swap3A_250 = tpu.vector_load %arg7[%swap3A_249] {strides = array<i32>} : memref<36864xf32, #tpu.memory_space<vmem>>, vector<16xf32>,
      %swap3A_251 = vector.shape_cast %swap3A_250 : vector<16xf32> to vector<16xf32>
      %swap3A_252 = vector.shape_cast %mul3A_248 : vector<16xf32> to vector<16xf32>
      tpu.vector_store %arg7[%swap3A_249], %swap3A_252 {strides = array<i32>} : memref<36864xf32, #tpu.memory_space<vmem>>, vector<16xf32>,
      %scan3A_253 = arith.constant 4 : i32
      %scan3A_254 = arith.addi %scan3A_188, %scan3A_253 : i32
      %mul3A_255 = arith.constant 16 : i32
      %mul3A_256 = arith.muli %scan3A_254, %mul3A_255 : i32
      %add3A_257 = arith.constant 3072 : i32
      %add3A_258 = arith.addi %add3A_257, %mul3A_256 : i32
      %get3A_259 = arith.index_cast %add3A_258 : i32 to index
      %get3A_260 = tpu.vector_load %arg7[%get3A_259] {strides = array<i32>} : memref<36864xf32, #tpu.memory_space<vmem>>, vector<16xf32>,
      %get3A_261 = vector.shape_cast %get3A_260 : vector<16xf32> to vector<16xf32>
      %get3A_262 = arith.index_cast %add3A_258 : i32 to index
      %get3A_263 = tpu.vector_load %arg8[%get3A_262] {strides = array<i32>} : memref<36864xf32, #tpu.memory_space<vmem>>, vector<16xf32>,
      %get3A_264 = vector.shape_cast %get3A_263 : vector<16xf32> to vector<16xf32>
      %mul3A_265 = arith.mulf %get3A_261, %get3A_264 : vector<16xf32>
      %swap3A_266 = arith.index_cast %add3A_258 : i32 to index
      %swap3A_267 = tpu.vector_load %arg7[%swap3A_266] {strides = array<i32>} : memref<36864xf32, #tpu.memory_space<vmem>>, vector<16xf32>,
      %swap3A_268 = vector.shape_cast %swap3A_267 : vector<16xf32> to vector<16xf32>
      %swap3A_269 = vector.shape_cast %mul3A_265 : vector<16xf32> to vector<16xf32>
      tpu.vector_store %arg7[%swap3A_266], %swap3A_269 {strides = array<i32>} : memref<36864xf32, #tpu.memory_space<vmem>>, vector<16xf32>,
      %scan3A_270 = arith.constant 5 : i32
      %scan3A_271 = arith.addi %scan3A_188, %scan3A_270 : i32
      %mul3A_272 = arith.constant 16 : i32
      %mul3A_273 = arith.muli %scan3A_271, %mul3A_272 : i32
      %add3A_274 = arith.constant 3072 : i32
      %add3A_275 = arith.addi %add3A_274, %mul3A_273 : i32
      %get3A_276 = arith.index_cast %add3A_275 : i32 to index
      %get3A_277 = tpu.vector_load %arg7[%get3A_276] {strides = array<i32>} : memref<36864xf32, #tpu.memory_space<vmem>>, vector<16xf32>,
      %get3A_278 = vector.shape_cast %get3A_277 : vector<16xf32> to vector<16xf32>
      %get3A_279 = arith.index_cast %add3A_275 : i32 to index
      %get3A_280 = tpu.vector_load %arg8[%get3A_279] {strides = array<i32>} : memref<36864xf32, #tpu.memory_space<vmem>>, vector<16xf32>,
      %get3A_281 = vector.shape_cast %get3A_280 : vector<16xf32> to vector<16xf32>
      %mul3A_282 = arith.mulf %get3A_278, %get3A_281 : vector<16xf32>
      %swap3A_283 = arith.index_cast %add3A_275 : i32 to index
      %swap3A_284 = tpu.vector_load %arg7[%swap3A_283] {strides = array<i32>} : memref<36864xf32, #tpu.memory_space<vmem>>, vector<16xf32>,
      %swap3A_285 = vector.shape_cast %swap3A_284 : vector<16xf32> to vector<16xf32>
      %swap3A_286 = vector.shape_cast %mul3A_282 : vector<16xf32> to vector<16xf32>
      tpu.vector_store %arg7[%swap3A_283], %swap3A_286 {strides = array<i32>} : memref<36864xf32, #tpu.memory_space<vmem>>, vector<16xf32>,
      %scan3A_287 = arith.constant 6 : i32
      %scan3A_288 = arith.addi %scan3A_188, %scan3A_287 : i32
      %mul3A_289 = arith.constant 16 : i32
      %mul3A_290 = arith.muli %scan3A_288, %mul3A_289 : i32
      %add3A_291 = arith.constant 3072 : i32
      %add3A_292 = arith.addi %add3A_291, %mul3A_290 : i32
      %get3A_293 = arith.index_cast %add3A_292 : i32 to index
      %get3A_294 = tpu.vector_load %arg7[%get3A_293] {strides = array<i32>} : memref<36864xf32, #tpu.memory_space<vmem>>, vector<16xf32>,
      %get3A_295 = vector.shape_cast %get3A_294 : vector<16xf32> to vector<16xf32>
      %get3A_296 = arith.index_cast %add3A_292 : i32 to index
      %get3A_297 = tpu.vector_load %arg8[%get3A_296] {strides = array<i32>} : memref<36864xf32, #tpu.memory_space<vmem>>, vector<16xf32>,
      %get3A_298 = vector.shape_cast %get3A_297 : vector<16xf32> to vector<16xf32>
      %mul3A_299 = arith.mulf %get3A_295, %get3A_298 : vector<16xf32>
      %swap3A_300 = arith.index_cast %add3A_292 : i32 to index
      %swap3A_301 = tpu.vector_load %arg7[%swap3A_300] {strides = array<i32>} : memref<36864xf32, #tpu.memory_space<vmem>>, vector<16xf32>,
      %swap3A_302 = vector.shape_cast %swap3A_301 : vector<16xf32> to vector<16xf32>
      %swap3A_303 = vector.shape_cast %mul3A_299 : vector<16xf32> to vector<16xf32>
      tpu.vector_store %arg7[%swap3A_300], %swap3A_303 {strides = array<i32>} : memref<36864xf32, #tpu.memory_space<vmem>>, vector<16xf32>,
      %scan3A_304 = arith.constant 7 : i32
      %scan3A_305 = arith.addi %scan3A_188, %scan3A_304 : i32
      %mul3A_306 = arith.constant 16 : i32
      %mul3A_307 = arith.muli %scan3A_305, %mul3A_306 : i32
      %add3A_308 = arith.constant 3072 : i32
      %add3A_309 = arith.addi %add3A_308, %mul3A_307 : i32
      %get3A_310 = arith.index_cast %add3A_309 : i32 to index
      %get3A_311 = tpu.vector_load %arg7[%get3A_310] {strides = array<i32>} : memref<36864xf32, #tpu.memory_space<vmem>>, vector<16xf32>,
      %get3A_312 = vector.shape_cast %get3A_311 : vector<16xf32> to vector<16xf32>
      %get3A_313 = arith.index_cast %add3A_309 : i32 to index
      %get3A_314 = tpu.vector_load %arg8[%get3A_313] {strides = array<i32>} : memref<36864xf32, #tpu.memory_space<vmem>>, vector<16xf32>,
      %get3A_315 = vector.shape_cast %get3A_314 : vector<16xf32> to vector<16xf32>
      %mul3A_316 = arith.mulf %get3A_312, %get3A_315 : vector<16xf32>
      %swap3A_317 = arith.index_cast %add3A_309 : i32 to index
      %swap3A_318 = tpu.vector_load %arg7[%swap3A_317] {strides = array<i32>} : memref<36864xf32, #tpu.memory_space<vmem>>, vector<16xf32>,
      %swap3A_319 = vector.shape_cast %swap3A_318 : vector<16xf32> to vector<16xf32>
      %swap3A_320 = vector.shape_cast %mul3A_316 : vector<16xf32> to vector<16xf32>
      tpu.vector_store %arg7[%swap3A_317], %swap3A_320 {strides = array<i32>} : memref<36864xf32, #tpu.memory_space<vmem>>, vector<16xf32>,
    }
    %scan3A_103 = arith.constant 912 : i32
    %add3A_104 = arith.constant 3072 : i32
    %add3A_105 = arith.addi %mul3A_2, %add3A_104 : i32
    %dma_start3A_106 = arith.constant 3072 : i32
    %dma_start3A_107 = tpu.memref_slice %arg7[%dma_start3A_106] : memref<36864xf32, #tpu.memory_space<vmem>> -> memref<14592xf32, #tpu.memory_space<vmem>>
    %dma_start3A_108 = tpu.memref_slice %arg5[%add3A_105] : memref<1179648xf32, #tpu.memory_space<hbm>> -> memref<14592xf32, #tpu.memory_space<hbm>>
    %dma_start3A_109 = tpu.memref_slice %arg5[%add3A_105] : memref<1179648xf32, #tpu.memory_space<hbm>> -> memref<14592xf32, #tpu.memory_space<hbm>>
    %dma_start3A_110 = arith.constant 3072 : i32
    %dma_start3A_111 = tpu.memref_slice %arg7[%dma_start3A_110] : memref<36864xf32, #tpu.memory_space<vmem>> -> memref<14592xf32, #tpu.memory_space<vmem>>
    tpu.enqueue_dma source(%dma_start3A_111 : memref<14592xf32, #tpu.memory_space<vmem>>) target(%dma_start3A_109 : memref<14592xf32, #tpu.memory_space<hbm>>) target_semaphore(%arg11 : memref<!tpu.dma_semaphore, #tpu.memory_space<semaphore_mem>>)
    %dma_wait3A_112 = arith.constant 32256 : i32
    %dma_wait3A_113 = tpu.memref_slice %arg6[%dma_wait3A_112] : memref<36864xi32, #tpu.memory_space<vmem>> -> memref<4608xi32, #tpu.memory_space<vmem>>
    %dma_wait3A_114 = tpu.memref_slice %arg3[%add3A_27] : memref<1179648xi32, #tpu.memory_space<hbm>> -> memref<4608xi32, #tpu.memory_space<hbm>>
    %dma_wait3A_115 = arith.constant 32256 : i32
    %dma_wait3A_116 = tpu.memref_slice %arg6[%dma_wait3A_115] : memref<36864xi32, #tpu.memory_space<vmem>> -> memref<4608xi32, #tpu.memory_space<vmem>>
    %dma_wait3A_117 = tpu.memref_slice %arg3[%add3A_27] : memref<1179648xi32, #tpu.memory_space<hbm>> -> memref<4608xi32, #tpu.memory_space<hbm>>
    tpu.wait_dma2 semaphore(%arg9 : memref<!tpu.dma_semaphore, #tpu.memory_space<semaphore_mem>>) src(%dma_wait3A_117 : memref<4608xi32, #tpu.memory_space<hbm>>) dst(%dma_wait3A_116 : memref<4608xi32, #tpu.memory_space<vmem>>)
    %dma_start3A_118 = arith.constant 32256 : i32
    %dma_start3A_119 = tpu.memref_slice %arg7[%dma_start3A_118] : memref<36864xf32, #tpu.memory_space<vmem>> -> memref<4608xf32, #tpu.memory_space<vmem>>
    %dma_start3A_120 = arith.constant 32256 : i32
    %dma_start3A_121 = tpu.memref_slice %arg6[%dma_start3A_120] : memref<36864xi32, #tpu.memory_space<vmem>> -> memref<4608xi32, #tpu.memory_space<vmem>>
    %dma_start3A_122 = arith.constant 0 : i32
    %dma_start3A_123 = tpu.memref_slice %arg2[%dma_start3A_122] : memref<2359296xf32, #tpu.memory_space<hbm>> -> memref<2359296xf32, #tpu.memory_space<hbm>>
    tpu.enqueue_indirect_dma source(%dma_start3A_123 : memref<2359296xf32, #tpu.memory_space<hbm>>) target(%dma_start3A_119 : memref<4608xf32, #tpu.memory_space<vmem>>) offsets(%dma_start3A_121 : memref<4608xi32, #tpu.memory_space<vmem>>) semaphore(%arg10 : memref<!tpu.dma_semaphore, #tpu.memory_space<semaphore_mem>>)
    %dma_wait3A_124 = arith.constant 17664 : i32
    %dma_wait3A_125 = tpu.memref_slice %arg7[%dma_wait3A_124] : memref<36864xf32, #tpu.memory_space<vmem>> -> memref<14592xf32, #tpu.memory_space<vmem>>
    %dma_wait3A_126 = arith.constant 17664 : i32
    %dma_wait3A_127 = tpu.memref_slice %arg6[%dma_wait3A_126] : memref<36864xi32, #tpu.memory_space<vmem>> -> memref<14592xi32, #tpu.memory_space<vmem>>
    %dma_wait3A_128 = arith.constant 0 : i32
    %dma_wait3A_129 = tpu.memref_slice %arg2[%dma_wait3A_128] : memref<2359296xf32, #tpu.memory_space<hbm>> -> memref<2359296xf32, #tpu.memory_space<hbm>>
    tpu.wait_indirect_dma semaphore(%arg10 : memref<!tpu.dma_semaphore, #tpu.memory_space<semaphore_mem>>) src(%dma_wait3A_129 : memref<2359296xf32, #tpu.memory_space<hbm>>) dst(%dma_wait3A_125 : memref<14592xf32, #tpu.memory_space<vmem>>)
    %scan3A_130 = arith.constant 0 : i32
    %scan3A_131 = arith.constant 0 : i32
    %scan3A_132 = arith.constant 912 : i32
    %scan3A_133 = arith.addi %scan3A_131, %scan3A_132 : i32
    %scan3A_134 = arith.constant 8 : i32
    scf.for %scan3A_188 = %scan3A_131 to %scan3A_133 step %scan3A_134  : i32 {
      %mul3A_189 = arith.constant 16 : i32
      %mul3A_190 = arith.muli %scan3A_188, %mul3A_189 : i32
      %add3A_191 = arith.constant 17664 : i32
      %add3A_192 = arith.addi %add3A_191, %mul3A_190 : i32
      %get3A = arith.index_cast %add3A_192 : i32 to index
      %get3A_193 = tpu.vector_load %arg7[%get3A] {strides = array<i32>} : memref<36864xf32, #tpu.memory_space<vmem>>, vector<16xf32>,
      %get3A_194 = vector.shape_cast %get3A_193 : vector<16xf32> to vector<16xf32>
      %get3A_195 = arith.index_cast %add3A_192 : i32 to index
      %get3A_196 = tpu.vector_load %arg8[%get3A_195] {strides = array<i32>} : memref<36864xf32, #tpu.memory_space<vmem>>, vector<16xf32>,
      %get3A_197 = vector.shape_cast %get3A_196 : vector<16xf32> to vector<16xf32>
      %mul3A_198 = arith.mulf %get3A_194, %get3A_197 : vector<16xf32>
      %swap3A = arith.index_cast %add3A_192 : i32 to index
      %swap3A_199 = tpu.vector_load %arg7[%swap3A] {strides = array<i32>} : memref<36864xf32, #tpu.memory_space<vmem>>, vector<16xf32>,
      %swap3A_200 = vector.shape_cast %swap3A_199 : vector<16xf32> to vector<16xf32>
      %swap3A_201 = vector.shape_cast %mul3A_198 : vector<16xf32> to vector<16xf32>
      tpu.vector_store %arg7[%swap3A], %swap3A_201 {strides = array<i32>} : memref<36864xf32, #tpu.memory_space<vmem>>, vector<16xf32>,
      %scan3A_202 = arith.constant 1 : i32
      %scan3A_203 = arith.addi %scan3A_188, %scan3A_202 : i32
      %mul3A_204 = arith.constant 16 : i32
      %mul3A_205 = arith.muli %scan3A_203, %mul3A_204 : i32
      %add3A_206 = arith.constant 17664 : i32
      %add3A_207 = arith.addi %add3A_206, %mul3A_205 : i32
      %get3A_208 = arith.index_cast %add3A_207 : i32 to index
      %get3A_209 = tpu.vector_load %arg7[%get3A_208] {strides = array<i32>} : memref<36864xf32, #tpu.memory_space<vmem>>, vector<16xf32>,
      %get3A_210 = vector.shape_cast %get3A_209 : vector<16xf32> to vector<16xf32>
      %get3A_211 = arith.index_cast %add3A_207 : i32 to index
      %get3A_212 = tpu.vector_load %arg8[%get3A_211] {strides = array<i32>} : memref<36864xf32, #tpu.memory_space<vmem>>, vector<16xf32>,
      %get3A_213 = vector.shape_cast %get3A_212 : vector<16xf32> to vector<16xf32>
      %mul3A_214 = arith.mulf %get3A_210, %get3A_213 : vector<16xf32>
      %swap3A_215 = arith.index_cast %add3A_207 : i32 to index
      %swap3A_216 = tpu.vector_load %arg7[%swap3A_215] {strides = array<i32>} : memref<36864xf32, #tpu.memory_space<vmem>>, vector<16xf32>,
      %swap3A_217 = vector.shape_cast %swap3A_216 : vector<16xf32> to vector<16xf32>
      %swap3A_218 = vector.shape_cast %mul3A_214 : vector<16xf32> to vector<16xf32>
      tpu.vector_store %arg7[%swap3A_215], %swap3A_218 {strides = array<i32>} : memref<36864xf32, #tpu.memory_space<vmem>>, vector<16xf32>,
      %scan3A_219 = arith.constant 2 : i32
      %scan3A_220 = arith.addi %scan3A_188, %scan3A_219 : i32
      %mul3A_221 = arith.constant 16 : i32
      %mul3A_222 = arith.muli %scan3A_220, %mul3A_221 : i32
      %add3A_223 = arith.constant 17664 : i32
      %add3A_224 = arith.addi %add3A_223, %mul3A_222 : i32
      %get3A_225 = arith.index_cast %add3A_224 : i32 to index
      %get3A_226 = tpu.vector_load %arg7[%get3A_225] {strides = array<i32>} : memref<36864xf32, #tpu.memory_space<vmem>>, vector<16xf32>,
      %get3A_227 = vector.shape_cast %get3A_226 : vector<16xf32> to vector<16xf32>
      %get3A_228 = arith.index_cast %add3A_224 : i32 to index
      %get3A_229 = tpu.vector_load %arg8[%get3A_228] {strides = array<i32>} : memref<36864xf32, #tpu.memory_space<vmem>>, vector<16xf32>,
      %get3A_230 = vector.shape_cast %get3A_229 : vector<16xf32> to vector<16xf32>
      %mul3A_231 = arith.mulf %get3A_227, %get3A_230 : vector<16xf32>
      %swap3A_232 = arith.index_cast %add3A_224 : i32 to index
      %swap3A_233 = tpu.vector_load %arg7[%swap3A_232] {strides = array<i32>} : memref<36864xf32, #tpu.memory_space<vmem>>, vector<16xf32>,
      %swap3A_234 = vector.shape_cast %swap3A_233 : vector<16xf32> to vector<16xf32>
      %swap3A_235 = vector.shape_cast %mul3A_231 : vector<16xf32> to vector<16xf32>
      tpu.vector_store %arg7[%swap3A_232], %swap3A_235 {strides = array<i32>} : memref<36864xf32, #tpu.memory_space<vmem>>, vector<16xf32>,
      %scan3A_236 = arith.constant 3 : i32
      %scan3A_237 = arith.addi %scan3A_188, %scan3A_236 : i32
      %mul3A_238 = arith.constant 16 : i32
      %mul3A_239 = arith.muli %scan3A_237, %mul3A_238 : i32
      %add3A_240 = arith.constant 17664 : i32
      %add3A_241 = arith.addi %add3A_240, %mul3A_239 : i32
      %get3A_242 = arith.index_cast %add3A_241 : i32 to index
      %get3A_243 = tpu.vector_load %arg7[%get3A_242] {strides = array<i32>} : memref<36864xf32, #tpu.memory_space<vmem>>, vector<16xf32>,
      %get3A_244 = vector.shape_cast %get3A_243 : vector<16xf32> to vector<16xf32>
      %get3A_245 = arith.index_cast %add3A_241 : i32 to index
      %get3A_246 = tpu.vector_load %arg8[%get3A_245] {strides = array<i32>} : memref<36864xf32, #tpu.memory_space<vmem>>, vector<16xf32>,
      %get3A_247 = vector.shape_cast %get3A_246 : vector<16xf32> to vector<16xf32>
      %mul3A_248 = arith.mulf %get3A_244, %get3A_247 : vector<16xf32>
      %swap3A_249 = arith.index_cast %add3A_241 : i32 to index
      %swap3A_250 = tpu.vector_load %arg7[%swap3A_249] {strides = array<i32>} : memref<36864xf32, #tpu.memory_space<vmem>>, vector<16xf32>,
      %swap3A_251 = vector.shape_cast %swap3A_250 : vector<16xf32> to vector<16xf32>
      %swap3A_252 = vector.shape_cast %mul3A_248 : vector<16xf32> to vector<16xf32>
      tpu.vector_store %arg7[%swap3A_249], %swap3A_252 {strides = array<i32>} : memref<36864xf32, #tpu.memory_space<vmem>>, vector<16xf32>,
      %scan3A_253 = arith.constant 4 : i32
      %scan3A_254 = arith.addi %scan3A_188, %scan3A_253 : i32
      %mul3A_255 = arith.constant 16 : i32
      %mul3A_256 = arith.muli %scan3A_254, %mul3A_255 : i32
      %add3A_257 = arith.constant 17664 : i32
      %add3A_258 = arith.addi %add3A_257, %mul3A_256 : i32
      %get3A_259 = arith.index_cast %add3A_258 : i32 to index
      %get3A_260 = tpu.vector_load %arg7[%get3A_259] {strides = array<i32>} : memref<36864xf32, #tpu.memory_space<vmem>>, vector<16xf32>,
      %get3A_261 = vector.shape_cast %get3A_260 : vector<16xf32> to vector<16xf32>
      %get3A_262 = arith.index_cast %add3A_258 : i32 to index
      %get3A_263 = tpu.vector_load %arg8[%get3A_262] {strides = array<i32>} : memref<36864xf32, #tpu.memory_space<vmem>>, vector<16xf32>,
      %get3A_264 = vector.shape_cast %get3A_263 : vector<16xf32> to vector<16xf32>
      %mul3A_265 = arith.mulf %get3A_261, %get3A_264 : vector<16xf32>
      %swap3A_266 = arith.index_cast %add3A_258 : i32 to index
      %swap3A_267 = tpu.vector_load %arg7[%swap3A_266] {strides = array<i32>} : memref<36864xf32, #tpu.memory_space<vmem>>, vector<16xf32>,
      %swap3A_268 = vector.shape_cast %swap3A_267 : vector<16xf32> to vector<16xf32>
      %swap3A_269 = vector.shape_cast %mul3A_265 : vector<16xf32> to vector<16xf32>
      tpu.vector_store %arg7[%swap3A_266], %swap3A_269 {strides = array<i32>} : memref<36864xf32, #tpu.memory_space<vmem>>, vector<16xf32>,
      %scan3A_270 = arith.constant 5 : i32
      %scan3A_271 = arith.addi %scan3A_188, %scan3A_270 : i32
      %mul3A_272 = arith.constant 16 : i32
      %mul3A_273 = arith.muli %scan3A_271, %mul3A_272 : i32
      %add3A_274 = arith.constant 17664 : i32
      %add3A_275 = arith.addi %add3A_274, %mul3A_273 : i32
      %get3A_276 = arith.index_cast %add3A_275 : i32 to index
      %get3A_277 = tpu.vector_load %arg7[%get3A_276] {strides = array<i32>} : memref<36864xf32, #tpu.memory_space<vmem>>, vector<16xf32>,
      %get3A_278 = vector.shape_cast %get3A_277 : vector<16xf32> to vector<16xf32>
      %get3A_279 = arith.index_cast %add3A_275 : i32 to index
      %get3A_280 = tpu.vector_load %arg8[%get3A_279] {strides = array<i32>} : memref<36864xf32, #tpu.memory_space<vmem>>, vector<16xf32>,
      %get3A_281 = vector.shape_cast %get3A_280 : vector<16xf32> to vector<16xf32>
      %mul3A_282 = arith.mulf %get3A_278, %get3A_281 : vector<16xf32>
      %swap3A_283 = arith.index_cast %add3A_275 : i32 to index
      %swap3A_284 = tpu.vector_load %arg7[%swap3A_283] {strides = array<i32>} : memref<36864xf32, #tpu.memory_space<vmem>>, vector<16xf32>,
      %swap3A_285 = vector.shape_cast %swap3A_284 : vector<16xf32> to vector<16xf32>
      %swap3A_286 = vector.shape_cast %mul3A_282 : vector<16xf32> to vector<16xf32>
      tpu.vector_store %arg7[%swap3A_283], %swap3A_286 {strides = array<i32>} : memref<36864xf32, #tpu.memory_space<vmem>>, vector<16xf32>,
      %scan3A_287 = arith.constant 6 : i32
      %scan3A_288 = arith.addi %scan3A_188, %scan3A_287 : i32
      %mul3A_289 = arith.constant 16 : i32
      %mul3A_290 = arith.muli %scan3A_288, %mul3A_289 : i32
      %add3A_291 = arith.constant 17664 : i32
      %add3A_292 = arith.addi %add3A_291, %mul3A_290 : i32
      %get3A_293 = arith.index_cast %add3A_292 : i32 to index
      %get3A_294 = tpu.vector_load %arg7[%get3A_293] {strides = array<i32>} : memref<36864xf32, #tpu.memory_space<vmem>>, vector<16xf32>,
      %get3A_295 = vector.shape_cast %get3A_294 : vector<16xf32> to vector<16xf32>
      %get3A_296 = arith.index_cast %add3A_292 : i32 to index
      %get3A_297 = tpu.vector_load %arg8[%get3A_296] {strides = array<i32>} : memref<36864xf32, #tpu.memory_space<vmem>>, vector<16xf32>,
      %get3A_298 = vector.shape_cast %get3A_297 : vector<16xf32> to vector<16xf32>
      %mul3A_299 = arith.mulf %get3A_295, %get3A_298 : vector<16xf32>
      %swap3A_300 = arith.index_cast %add3A_292 : i32 to index
      %swap3A_301 = tpu.vector_load %arg7[%swap3A_300] {strides = array<i32>} : memref<36864xf32, #tpu.memory_space<vmem>>, vector<16xf32>,
      %swap3A_302 = vector.shape_cast %swap3A_301 : vector<16xf32> to vector<16xf32>
      %swap3A_303 = vector.shape_cast %mul3A_299 : vector<16xf32> to vector<16xf32>
      tpu.vector_store %arg7[%swap3A_300], %swap3A_303 {strides = array<i32>} : memref<36864xf32, #tpu.memory_space<vmem>>, vector<16xf32>,
      %scan3A_304 = arith.constant 7 : i32
      %scan3A_305 = arith.addi %scan3A_188, %scan3A_304 : i32
      %mul3A_306 = arith.constant 16 : i32
      %mul3A_307 = arith.muli %scan3A_305, %mul3A_306 : i32
      %add3A_308 = arith.constant 17664 : i32
      %add3A_309 = arith.addi %add3A_308, %mul3A_307 : i32
      %get3A_310 = arith.index_cast %add3A_309 : i32 to index
      %get3A_311 = tpu.vector_load %arg7[%get3A_310] {strides = array<i32>} : memref<36864xf32, #tpu.memory_space<vmem>>, vector<16xf32>,
      %get3A_312 = vector.shape_cast %get3A_311 : vector<16xf32> to vector<16xf32>
      %get3A_313 = arith.index_cast %add3A_309 : i32 to index
      %get3A_314 = tpu.vector_load %arg8[%get3A_313] {strides = array<i32>} : memref<36864xf32, #tpu.memory_space<vmem>>, vector<16xf32>,
      %get3A_315 = vector.shape_cast %get3A_314 : vector<16xf32> to vector<16xf32>
      %mul3A_316 = arith.mulf %get3A_312, %get3A_315 : vector<16xf32>
      %swap3A_317 = arith.index_cast %add3A_309 : i32 to index
      %swap3A_318 = tpu.vector_load %arg7[%swap3A_317] {strides = array<i32>} : memref<36864xf32, #tpu.memory_space<vmem>>, vector<16xf32>,
      %swap3A_319 = vector.shape_cast %swap3A_318 : vector<16xf32> to vector<16xf32>
      %swap3A_320 = vector.shape_cast %mul3A_316 : vector<16xf32> to vector<16xf32>
      tpu.vector_store %arg7[%swap3A_317], %swap3A_320 {strides = array<i32>} : memref<36864xf32, #tpu.memory_space<vmem>>, vector<16xf32>,
    }
    %scan3A_135 = arith.constant 912 : i32
    %add3A_136 = arith.constant 17664 : i32
    %add3A_137 = arith.addi %mul3A_2, %add3A_136 : i32
    %dma_start3A_138 = arith.constant 17664 : i32
    %dma_start3A_139 = tpu.memref_slice %arg7[%dma_start3A_138] : memref<36864xf32, #tpu.memory_space<vmem>> -> memref<14592xf32, #tpu.memory_space<vmem>>
    %dma_start3A_140 = tpu.memref_slice %arg5[%add3A_137] : memref<1179648xf32, #tpu.memory_space<hbm>> -> memref<14592xf32, #tpu.memory_space<hbm>>
    %dma_start3A_141 = tpu.memref_slice %arg5[%add3A_137] : memref<1179648xf32, #tpu.memory_space<hbm>> -> memref<14592xf32, #tpu.memory_space<hbm>>
    %dma_start3A_142 = arith.constant 17664 : i32
    %dma_start3A_143 = tpu.memref_slice %arg7[%dma_start3A_142] : memref<36864xf32, #tpu.memory_space<vmem>> -> memref<14592xf32, #tpu.memory_space<vmem>>
    tpu.enqueue_dma source(%dma_start3A_143 : memref<14592xf32, #tpu.memory_space<vmem>>) target(%dma_start3A_141 : memref<14592xf32, #tpu.memory_space<hbm>>) target_semaphore(%arg11 : memref<!tpu.dma_semaphore, #tpu.memory_space<semaphore_mem>>)
    %dma_wait3A_144 = arith.constant 32256 : i32
    %dma_wait3A_145 = tpu.memref_slice %arg7[%dma_wait3A_144] : memref<36864xf32, #tpu.memory_space<vmem>> -> memref<4608xf32, #tpu.memory_space<vmem>>
    %dma_wait3A_146 = arith.constant 32256 : i32
    %dma_wait3A_147 = tpu.memref_slice %arg6[%dma_wait3A_146] : memref<36864xi32, #tpu.memory_space<vmem>> -> memref<4608xi32, #tpu.memory_space<vmem>>
    %dma_wait3A_148 = arith.constant 0 : i32
    %dma_wait3A_149 = tpu.memref_slice %arg2[%dma_wait3A_148] : memref<2359296xf32, #tpu.memory_space<hbm>> -> memref<2359296xf32, #tpu.memory_space<hbm>>
    tpu.wait_indirect_dma semaphore(%arg10 : memref<!tpu.dma_semaphore, #tpu.memory_space<semaphore_mem>>) src(%dma_wait3A_149 : memref<2359296xf32, #tpu.memory_space<hbm>>) dst(%dma_wait3A_145 : memref<4608xf32, #tpu.memory_space<vmem>>)
    %scan3A_150 = arith.constant 0 : i32
    %scan3A_151 = arith.constant 0 : i32
    %scan3A_152 = arith.constant 288 : i32
    %scan3A_153 = arith.addi %scan3A_151, %scan3A_152 : i32
    %scan3A_154 = arith.constant 8 : i32
    scf.for %scan3A_188 = %scan3A_151 to %scan3A_153 step %scan3A_154  : i32 {
      %mul3A_189 = arith.constant 16 : i32
      %mul3A_190 = arith.muli %scan3A_188, %mul3A_189 : i32
      %add3A_191 = arith.constant 32256 : i32
      %add3A_192 = arith.addi %add3A_191, %mul3A_190 : i32
      %get3A = arith.index_cast %add3A_192 : i32 to index
      %get3A_193 = tpu.vector_load %arg7[%get3A] {strides = array<i32>} : memref<36864xf32, #tpu.memory_space<vmem>>, vector<16xf32>,
      %get3A_194 = vector.shape_cast %get3A_193 : vector<16xf32> to vector<16xf32>
      %get3A_195 = arith.index_cast %add3A_192 : i32 to index
      %get3A_196 = tpu.vector_load %arg8[%get3A_195] {strides = array<i32>} : memref<36864xf32, #tpu.memory_space<vmem>>, vector<16xf32>,
      %get3A_197 = vector.shape_cast %get3A_196 : vector<16xf32> to vector<16xf32>
      %mul3A_198 = arith.mulf %get3A_194, %get3A_197 : vector<16xf32>
      %swap3A = arith.index_cast %add3A_192 : i32 to index
      %swap3A_199 = tpu.vector_load %arg7[%swap3A] {strides = array<i32>} : memref<36864xf32, #tpu.memory_space<vmem>>, vector<16xf32>,
      %swap3A_200 = vector.shape_cast %swap3A_199 : vector<16xf32> to vector<16xf32>
      %swap3A_201 = vector.shape_cast %mul3A_198 : vector<16xf32> to vector<16xf32>
      tpu.vector_store %arg7[%swap3A], %swap3A_201 {strides = array<i32>} : memref<36864xf32, #tpu.memory_space<vmem>>, vector<16xf32>,
      %scan3A_202 = arith.constant 1 : i32
      %scan3A_203 = arith.addi %scan3A_188, %scan3A_202 : i32
      %mul3A_204 = arith.constant 16 : i32
      %mul3A_205 = arith.muli %scan3A_203, %mul3A_204 : i32
      %add3A_206 = arith.constant 32256 : i32
      %add3A_207 = arith.addi %add3A_206, %mul3A_205 : i32
      %get3A_208 = arith.index_cast %add3A_207 : i32 to index
      %get3A_209 = tpu.vector_load %arg7[%get3A_208] {strides = array<i32>} : memref<36864xf32, #tpu.memory_space<vmem>>, vector<16xf32>,
      %get3A_210 = vector.shape_cast %get3A_209 : vector<16xf32> to vector<16xf32>
      %get3A_211 = arith.index_cast %add3A_207 : i32 to index
      %get3A_212 = tpu.vector_load %arg8[%get3A_211] {strides = array<i32>} : memref<36864xf32, #tpu.memory_space<vmem>>, vector<16xf32>,
      %get3A_213 = vector.shape_cast %get3A_212 : vector<16xf32> to vector<16xf32>
      %mul3A_214 = arith.mulf %get3A_210, %get3A_213 : vector<16xf32>
      %swap3A_215 = arith.index_cast %add3A_207 : i32 to index
      %swap3A_216 = tpu.vector_load %arg7[%swap3A_215] {strides = array<i32>} : memref<36864xf32, #tpu.memory_space<vmem>>, vector<16xf32>,
      %swap3A_217 = vector.shape_cast %swap3A_216 : vector<16xf32> to vector<16xf32>
      %swap3A_218 = vector.shape_cast %mul3A_214 : vector<16xf32> to vector<16xf32>
      tpu.vector_store %arg7[%swap3A_215], %swap3A_218 {strides = array<i32>} : memref<36864xf32, #tpu.memory_space<vmem>>, vector<16xf32>,
      %scan3A_219 = arith.constant 2 : i32
      %scan3A_220 = arith.addi %scan3A_188, %scan3A_219 : i32
      %mul3A_221 = arith.constant 16 : i32
      %mul3A_222 = arith.muli %scan3A_220, %mul3A_221 : i32
      %add3A_223 = arith.constant 32256 : i32
      %add3A_224 = arith.addi %add3A_223, %mul3A_222 : i32
      %get3A_225 = arith.index_cast %add3A_224 : i32 to index
      %get3A_226 = tpu.vector_load %arg7[%get3A_225] {strides = array<i32>} : memref<36864xf32, #tpu.memory_space<vmem>>, vector<16xf32>,
      %get3A_227 = vector.shape_cast %get3A_226 : vector<16xf32> to vector<16xf32>
      %get3A_228 = arith.index_cast %add3A_224 : i32 to index
      %get3A_229 = tpu.vector_load %arg8[%get3A_228] {strides = array<i32>} : memref<36864xf32, #tpu.memory_space<vmem>>, vector<16xf32>,
      %get3A_230 = vector.shape_cast %get3A_229 : vector<16xf32> to vector<16xf32>
      %mul3A_231 = arith.mulf %get3A_227, %get3A_230 : vector<16xf32>
      %swap3A_232 = arith.index_cast %add3A_224 : i32 to index
      %swap3A_233 = tpu.vector_load %arg7[%swap3A_232] {strides = array<i32>} : memref<36864xf32, #tpu.memory_space<vmem>>, vector<16xf32>,
      %swap3A_234 = vector.shape_cast %swap3A_233 : vector<16xf32> to vector<16xf32>
      %swap3A_235 = vector.shape_cast %mul3A_231 : vector<16xf32> to vector<16xf32>
      tpu.vector_store %arg7[%swap3A_232], %swap3A_235 {strides = array<i32>} : memref<36864xf32, #tpu.memory_space<vmem>>, vector<16xf32>,
      %scan3A_236 = arith.constant 3 : i32
      %scan3A_237 = arith.addi %scan3A_188, %scan3A_236 : i32
      %mul3A_238 = arith.constant 16 : i32
      %mul3A_239 = arith.muli %scan3A_237, %mul3A_238 : i32
      %add3A_240 = arith.constant 32256 : i32
      %add3A_241 = arith.addi %add3A_240, %mul3A_239 : i32
      %get3A_242 = arith.index_cast %add3A_241 : i32 to index
      %get3A_243 = tpu.vector_load %arg7[%get3A_242] {strides = array<i32>} : memref<36864xf32, #tpu.memory_space<vmem>>, vector<16xf32>,
      %get3A_244 = vector.shape_cast %get3A_243 : vector<16xf32> to vector<16xf32>
      %get3A_245 = arith.index_cast %add3A_241 : i32 to index
      %get3A_246 = tpu.vector_load %arg8[%get3A_245] {strides = array<i32>} : memref<36864xf32, #tpu.memory_space<vmem>>, vector<16xf32>,
      %get3A_247 = vector.shape_cast %get3A_246 : vector<16xf32> to vector<16xf32>
      %mul3A_248 = arith.mulf %get3A_244, %get3A_247 : vector<16xf32>
      %swap3A_249 = arith.index_cast %add3A_241 : i32 to index
      %swap3A_250 = tpu.vector_load %arg7[%swap3A_249] {strides = array<i32>} : memref<36864xf32, #tpu.memory_space<vmem>>, vector<16xf32>,
      %swap3A_251 = vector.shape_cast %swap3A_250 : vector<16xf32> to vector<16xf32>
      %swap3A_252 = vector.shape_cast %mul3A_248 : vector<16xf32> to vector<16xf32>
      tpu.vector_store %arg7[%swap3A_249], %swap3A_252 {strides = array<i32>} : memref<36864xf32, #tpu.memory_space<vmem>>, vector<16xf32>,
      %scan3A_253 = arith.constant 4 : i32
      %scan3A_254 = arith.addi %scan3A_188, %scan3A_253 : i32
      %mul3A_255 = arith.constant 16 : i32
      %mul3A_256 = arith.muli %scan3A_254, %mul3A_255 : i32
      %add3A_257 = arith.constant 32256 : i32
      %add3A_258 = arith.addi %add3A_257, %mul3A_256 : i32
      %get3A_259 = arith.index_cast %add3A_258 : i32 to index
      %get3A_260 = tpu.vector_load %arg7[%get3A_259] {strides = array<i32>} : memref<36864xf32, #tpu.memory_space<vmem>>, vector<16xf32>,
      %get3A_261 = vector.shape_cast %get3A_260 : vector<16xf32> to vector<16xf32>
      %get3A_262 = arith.index_cast %add3A_258 : i32 to index
      %get3A_263 = tpu.vector_load %arg8[%get3A_262] {strides = array<i32>} : memref<36864xf32, #tpu.memory_space<vmem>>, vector<16xf32>,
      %get3A_264 = vector.shape_cast %get3A_263 : vector<16xf32> to vector<16xf32>
      %mul3A_265 = arith.mulf %get3A_261, %get3A_264 : vector<16xf32>
      %swap3A_266 = arith.index_cast %add3A_258 : i32 to index
      %swap3A_267 = tpu.vector_load %arg7[%swap3A_266] {strides = array<i32>} : memref<36864xf32, #tpu.memory_space<vmem>>, vector<16xf32>,
      %swap3A_268 = vector.shape_cast %swap3A_267 : vector<16xf32> to vector<16xf32>
      %swap3A_269 = vector.shape_cast %mul3A_265 : vector<16xf32> to vector<16xf32>
      tpu.vector_store %arg7[%swap3A_266], %swap3A_269 {strides = array<i32>} : memref<36864xf32, #tpu.memory_space<vmem>>, vector<16xf32>,
      %scan3A_270 = arith.constant 5 : i32
      %scan3A_271 = arith.addi %scan3A_188, %scan3A_270 : i32
      %mul3A_272 = arith.constant 16 : i32
      %mul3A_273 = arith.muli %scan3A_271, %mul3A_272 : i32
      %add3A_274 = arith.constant 32256 : i32
      %add3A_275 = arith.addi %add3A_274, %mul3A_273 : i32
      %get3A_276 = arith.index_cast %add3A_275 : i32 to index
      %get3A_277 = tpu.vector_load %arg7[%get3A_276] {strides = array<i32>} : memref<36864xf32, #tpu.memory_space<vmem>>, vector<16xf32>,
      %get3A_278 = vector.shape_cast %get3A_277 : vector<16xf32> to vector<16xf32>
      %get3A_279 = arith.index_cast %add3A_275 : i32 to index
      %get3A_280 = tpu.vector_load %arg8[%get3A_279] {strides = array<i32>} : memref<36864xf32, #tpu.memory_space<vmem>>, vector<16xf32>,
      %get3A_281 = vector.shape_cast %get3A_280 : vector<16xf32> to vector<16xf32>
      %mul3A_282 = arith.mulf %get3A_278, %get3A_281 : vector<16xf32>
      %swap3A_283 = arith.index_cast %add3A_275 : i32 to index
      %swap3A_284 = tpu.vector_load %arg7[%swap3A_283] {strides = array<i32>} : memref<36864xf32, #tpu.memory_space<vmem>>, vector<16xf32>,
      %swap3A_285 = vector.shape_cast %swap3A_284 : vector<16xf32> to vector<16xf32>
      %swap3A_286 = vector.shape_cast %mul3A_282 : vector<16xf32> to vector<16xf32>
      tpu.vector_store %arg7[%swap3A_283], %swap3A_286 {strides = array<i32>} : memref<36864xf32, #tpu.memory_space<vmem>>, vector<16xf32>,
      %scan3A_287 = arith.constant 6 : i32
      %scan3A_288 = arith.addi %scan3A_188, %scan3A_287 : i32
      %mul3A_289 = arith.constant 16 : i32
      %mul3A_290 = arith.muli %scan3A_288, %mul3A_289 : i32
      %add3A_291 = arith.constant 32256 : i32
      %add3A_292 = arith.addi %add3A_291, %mul3A_290 : i32
      %get3A_293 = arith.index_cast %add3A_292 : i32 to index
      %get3A_294 = tpu.vector_load %arg7[%get3A_293] {strides = array<i32>} : memref<36864xf32, #tpu.memory_space<vmem>>, vector<16xf32>,
      %get3A_295 = vector.shape_cast %get3A_294 : vector<16xf32> to vector<16xf32>
      %get3A_296 = arith.index_cast %add3A_292 : i32 to index
      %get3A_297 = tpu.vector_load %arg8[%get3A_296] {strides = array<i32>} : memref<36864xf32, #tpu.memory_space<vmem>>, vector<16xf32>,
      %get3A_298 = vector.shape_cast %get3A_297 : vector<16xf32> to vector<16xf32>
      %mul3A_299 = arith.mulf %get3A_295, %get3A_298 : vector<16xf32>
      %swap3A_300 = arith.index_cast %add3A_292 : i32 to index
      %swap3A_301 = tpu.vector_load %arg7[%swap3A_300] {strides = array<i32>} : memref<36864xf32, #tpu.memory_space<vmem>>, vector<16xf32>,
      %swap3A_302 = vector.shape_cast %swap3A_301 : vector<16xf32> to vector<16xf32>
      %swap3A_303 = vector.shape_cast %mul3A_299 : vector<16xf32> to vector<16xf32>
      tpu.vector_store %arg7[%swap3A_300], %swap3A_303 {strides = array<i32>} : memref<36864xf32, #tpu.memory_space<vmem>>, vector<16xf32>,
      %scan3A_304 = arith.constant 7 : i32
      %scan3A_305 = arith.addi %scan3A_188, %scan3A_304 : i32
      %mul3A_306 = arith.constant 16 : i32
      %mul3A_307 = arith.muli %scan3A_305, %mul3A_306 : i32
      %add3A_308 = arith.constant 32256 : i32
      %add3A_309 = arith.addi %add3A_308, %mul3A_307 : i32
      %get3A_310 = arith.index_cast %add3A_309 : i32 to index
      %get3A_311 = tpu.vector_load %arg7[%get3A_310] {strides = array<i32>} : memref<36864xf32, #tpu.memory_space<vmem>>, vector<16xf32>,
      %get3A_312 = vector.shape_cast %get3A_311 : vector<16xf32> to vector<16xf32>
      %get3A_313 = arith.index_cast %add3A_309 : i32 to index
      %get3A_314 = tpu.vector_load %arg8[%get3A_313] {strides = array<i32>} : memref<36864xf32, #tpu.memory_space<vmem>>, vector<16xf32>,
      %get3A_315 = vector.shape_cast %get3A_314 : vector<16xf32> to vector<16xf32>
      %mul3A_316 = arith.mulf %get3A_312, %get3A_315 : vector<16xf32>
      %swap3A_317 = arith.index_cast %add3A_309 : i32 to index
      %swap3A_318 = tpu.vector_load %arg7[%swap3A_317] {strides = array<i32>} : memref<36864xf32, #tpu.memory_space<vmem>>, vector<16xf32>,
      %swap3A_319 = vector.shape_cast %swap3A_318 : vector<16xf32> to vector<16xf32>
      %swap3A_320 = vector.shape_cast %mul3A_316 : vector<16xf32> to vector<16xf32>
      tpu.vector_store %arg7[%swap3A_317], %swap3A_320 {strides = array<i32>} : memref<36864xf32, #tpu.memory_space<vmem>>, vector<16xf32>,
    }
    %scan3A_155 = arith.constant 288 : i32
    %add3A_156 = arith.constant 32256 : i32
    %add3A_157 = arith.addi %mul3A_2, %add3A_156 : i32
    %dma_start3A_158 = arith.constant 32256 : i32
    %dma_start3A_159 = tpu.memref_slice %arg7[%dma_start3A_158] : memref<36864xf32, #tpu.memory_space<vmem>> -> memref<4608xf32, #tpu.memory_space<vmem>>
    %dma_start3A_160 = tpu.memref_slice %arg5[%add3A_157] : memref<1179648xf32, #tpu.memory_space<hbm>> -> memref<4608xf32, #tpu.memory_space<hbm>>
    %dma_start3A_161 = tpu.memref_slice %arg5[%add3A_157] : memref<1179648xf32, #tpu.memory_space<hbm>> -> memref<4608xf32, #tpu.memory_space<hbm>>
    %dma_start3A_162 = arith.constant 32256 : i32
    %dma_start3A_163 = tpu.memref_slice %arg7[%dma_start3A_162] : memref<36864xf32, #tpu.memory_space<vmem>> -> memref<4608xf32, #tpu.memory_space<vmem>>
    tpu.enqueue_dma source(%dma_start3A_163 : memref<4608xf32, #tpu.memory_space<vmem>>) target(%dma_start3A_161 : memref<4608xf32, #tpu.memory_space<hbm>>) target_semaphore(%arg11 : memref<!tpu.dma_semaphore, #tpu.memory_space<semaphore_mem>>)
    %dma_wait3A_164 = arith.constant 0 : i32
    %dma_wait3A_165 = tpu.memref_slice %arg7[%dma_wait3A_164] : memref<36864xf32, #tpu.memory_space<vmem>> -> memref<3072xf32, #tpu.memory_space<vmem>>
    %dma_wait3A_166 = tpu.memref_slice %arg5[%add3A_73] : memref<1179648xf32, #tpu.memory_space<hbm>> -> memref<3072xf32, #tpu.memory_space<hbm>>
    %dma_wait3A_167 = tpu.memref_slice %arg5[%add3A_73] : memref<1179648xf32, #tpu.memory_space<hbm>> -> memref<3072xf32, #tpu.memory_space<hbm>>
    %dma_wait3A_168 = arith.constant 0 : i32
    %dma_wait3A_169 = tpu.memref_slice %arg7[%dma_wait3A_168] : memref<36864xf32, #tpu.memory_space<vmem>> -> memref<3072xf32, #tpu.memory_space<vmem>>
    tpu.wait_dma2 semaphore(%arg11 : memref<!tpu.dma_semaphore, #tpu.memory_space<semaphore_mem>>) src(%dma_wait3A_169 : memref<3072xf32, #tpu.memory_space<vmem>>) dst(%dma_wait3A_167 : memref<3072xf32, #tpu.memory_space<hbm>>)
    %dma_wait3A_170 = arith.constant 3072 : i32
    %dma_wait3A_171 = tpu.memref_slice %arg7[%dma_wait3A_170] : memref<36864xf32, #tpu.memory_space<vmem>> -> memref<14592xf32, #tpu.memory_space<vmem>>
    %dma_wait3A_172 = tpu.memref_slice %arg5[%add3A_105] : memref<1179648xf32, #tpu.memory_space<hbm>> -> memref<14592xf32, #tpu.memory_space<hbm>>
    %dma_wait3A_173 = tpu.memref_slice %arg5[%add3A_105] : memref<1179648xf32, #tpu.memory_space<hbm>> -> memref<14592xf32, #tpu.memory_space<hbm>>
    %dma_wait3A_174 = arith.constant 3072 : i32
    %dma_wait3A_175 = tpu.memref_slice %arg7[%dma_wait3A_174] : memref<36864xf32, #tpu.memory_space<vmem>> -> memref<14592xf32, #tpu.memory_space<vmem>>
    tpu.wait_dma2 semaphore(%arg11 : memref<!tpu.dma_semaphore, #tpu.memory_space<semaphore_mem>>) src(%dma_wait3A_175 : memref<14592xf32, #tpu.memory_space<vmem>>) dst(%dma_wait3A_173 : memref<14592xf32, #tpu.memory_space<hbm>>)
    %dma_wait3A_176 = arith.constant 17664 : i32
    %dma_wait3A_177 = tpu.memref_slice %arg7[%dma_wait3A_176] : memref<36864xf32, #tpu.memory_space<vmem>> -> memref<14592xf32, #tpu.memory_space<vmem>>
    %dma_wait3A_178 = tpu.memref_slice %arg5[%add3A_137] : memref<1179648xf32, #tpu.memory_space<hbm>> -> memref<14592xf32, #tpu.memory_space<hbm>>
    %dma_wait3A_179 = tpu.memref_slice %arg5[%add3A_137] : memref<1179648xf32, #tpu.memory_space<hbm>> -> memref<14592xf32, #tpu.memory_space<hbm>>
    %dma_wait3A_180 = arith.constant 17664 : i32
    %dma_wait3A_181 = tpu.memref_slice %arg7[%dma_wait3A_180] : memref<36864xf32, #tpu.memory_space<vmem>> -> memref<14592xf32, #tpu.memory_space<vmem>>
    tpu.wait_dma2 semaphore(%arg11 : memref<!tpu.dma_semaphore, #tpu.memory_space<semaphore_mem>>) src(%dma_wait3A_181 : memref<14592xf32, #tpu.memory_space<vmem>>) dst(%dma_wait3A_179 : memref<14592xf32, #tpu.memory_space<hbm>>)
    %dma_wait3A_182 = arith.constant 32256 : i32
    %dma_wait3A_183 = tpu.memref_slice %arg7[%dma_wait3A_182] : memref<36864xf32, #tpu.memory_space<vmem>> -> memref<4608xf32, #tpu.memory_space<vmem>>
    %dma_wait3A_184 = tpu.memref_slice %arg5[%add3A_157] : memref<1179648xf32, #tpu.memory_space<hbm>> -> memref<4608xf32, #tpu.memory_space<hbm>>
    %dma_wait3A_185 = tpu.memref_slice %arg5[%add3A_157] : memref<1179648xf32, #tpu.memory_space<hbm>> -> memref<4608xf32, #tpu.memory_space<hbm>>
    %dma_wait3A_186 = arith.constant 32256 : i32
    %dma_wait3A_187 = tpu.memref_slice %arg7[%dma_wait3A_186] : memref<36864xf32, #tpu.memory_space<vmem>> -> memref<4608xf32, #tpu.memory_space<vmem>>
    tpu.wait_dma2 semaphore(%arg11 : memref<!tpu.dma_semaphore, #tpu.memory_space<semaphore_mem>>) src(%dma_wait3A_187 : memref<4608xf32, #tpu.memory_space<vmem>>) dst(%dma_wait3A_185 : memref<4608xf32, #tpu.memory_space<hbm>>)
    return
  }
}

</mosaic_0001>

<sc_bundles>
// kernel: _super_params.3.cloned.1.call-start
scs
__scs_entry_jumppad:
0x0: {  	(pc) =	sbr.rel $0x88, $3  }
0x1: {  	(tag) =	ssettag $0x0;
	lr =	simm.s32 $0x1  }
0x2: {  	[smem:$0x3F9E] =	sst lr;
	_ =	strace $0xD0000000  }
0x3: {  	_ = 	snop  }
0x4: {  	_ = 	snop  }
0x5: {  	_ = 	snop  }
0x6: {  	_ = 	snop  }
0x7: {  	_ = 	snop  }
__scs_overlays_trampoline_lowered:
0x8: {  	[smem:$0x3FAD] =	sst s0  }
0x9: {  	[smem:$0x3FAE] =	sst s1  }
0xa: {  	[smem:$0x3FAF] =	sst s2  }
0xb: {  	[smem:$0x3FB0] =	sst s3  }
0xc: {  	[smem:$0x3FB1] =	sst s4  }
0xd: {  	[smem:$0x3FB2] =	sst s5  }
0xe: {  	[smem:$0x3FB3] =	sst s6  }
0xf: {  	[smem:$0x3FB4] =	sst s7  }
0x10: {  	[smem:$0x3FB5] =	sst s8  }
0x11: {  	[smem:$0x3FB6] =	sst s9;
	s0 =	simm.s32 @!p0 $0x0  }
0x12: {  	s1 =	sld [smem:$0x3F9C];
	s0 =	simm.s32 @p0 $0x1  }
0x13: {  	[smem:$0x3FB7] =	sst s0;
	s0 =	simm.s32 @!p1 $0x0  }
0x14: {  	s2 =	sld [smem:$0x3F9B];
	s0 =	simm.s32 @p1 $0x1  }
0x15: {  	[smem:$0x3FB8] =	sst s0;
	s0 =	simm.s32 @!p2 $0x0  }
0x16: {  	s3 =	sld [smem:$0x3FDB];
	s0 =	simm.s32 @p2 $0x1  }
0x17: {  	s4 =	simm.s32 $0x1BF5;
	[smem:$0x3FBA] =	sst s0  }
0x18: {  	s0 =	sld [smem:$0x3F9D];
	_ =	swait.ge [sflag:s4], $0x0  }
0x19: {  	s7 =	sld [smem:$0x3F9E]  }
0x1a: {  	s8 =	sadd.s32 $0xFFFFE003, lr  }
0x1b: {  	s9 =	sadd.s32 $0xFFFFFEF7, lr;
	s5 =	simm.s32 $0xFFFFFFFF;
	p2 =	slt.u32 s8, $0xFFFFF086  }
0x1c: {  	p1 =	slt.u32 s9, $0xF7A;
	s5 =	simm.s32 @!p2 $0x0  }
0x1d: {  	s5 =	simm.s32 @p1 $0x1;
	p0 =	seq.s32 s7, s2  }
0x1e: {  	s7 =	smul.u32 @!p0 $0xF7A, s2;
	p2 =	seq.s32 @!p0 s5, $0x0  }
0x1f: {  	s9 =	smul.u32 $0xF7A, s1;
	s8 =	simm.s32 @!p0 $0x1BF5;
	p2 =	por !p2, p0  }
0x20: {  	[sflag:s8] =	ssyncset.s32 @!p0 $0xFFFFF086;
	s6 =	sadd.s32 @!p0 s3, s7;
	s7 =	simm.s32 @!p0 $0x108  }
0x21: {  	s3 =	sadd.s32 s3, s9;
	s6 =	sadd.s32 @!p0 $0x88, s6;
	s7 =	simm.s32 @p2 $0x1082  }
0x22: {  	[simem:s7], [sflag:s8] =	dma.local @!p0 [hbm:s6], $0xF7A  }
0x23: {  	s9 =	sor.u32 $0xD0000000, s2;
	s6 =	simm.s32 $0x108;
	_ =	swait.ge @!p0 [sflag:s8], $0x0  }
0x24: {  	s3 =	sadd.s32 $0x88, s3;
	s6 =	simm.s32 @!p1 $0x1082;
	[sflag:s4] =	ssyncset.s32 $0xFFFFF086  }
0x25: {  	[simem:s6], [sflag:s4] =	dma.local [hbm:s3], $0xF7A  }
0x26: {  	[smem:$0x3F9E] =	sst s1;
	(tag) =	ssettag s2;
	_ =	strace s9  }
0x27: {  	s1 =	sld [smem:$0x3FAE]  }
0x28: {  	s2 =	sld [smem:$0x3FAF]  }
0x29: {  	s4 =	sld [smem:$0x3FB1]  }
0x2a: {  	p0 =	seq.s32 s5, $0x0;
	s5 =	sld [smem:$0x3FB2]  }
0x2b: {  	s6 =	sld [smem:$0x3FB3]  }
0x2c: {  	s7 =	sld [smem:$0x3FB4]  }
0x2d: {  	s3 =	simm.s32 $0x108;
	s8 =	sld [smem:$0x3FB5]  }
0x2e: {  	s3 =	simm.s32 @!p0 $0x1082;
	s9 =	sld [smem:$0x3FB6]  }
0x2f: {  	lr =	sadd.s32 s0, s3;
	s0 =	sld [smem:$0x3FAD]  }
0x30: {  	s3 =	sld [smem:$0x3FB0]  }
0x31: {  	[smem:$0x3FB9] =	sst s10  }
0x32: {  	s10 =	sld [smem:$0x3FB7];
	_ =	sdelay $0x3  }
0x33: {  	p0 =	seq.s32 s10, $0x1;
	s10 =	sld [smem:$0x3FB9];
	_ =	sdelay $0x3  }
0x34: {  	[smem:$0x3FB9] =	sst s10  }
0x35: {  	s10 =	sld [smem:$0x3FB8];
	_ =	sdelay $0x3  }
0x36: {  	p1 =	seq.s32 s10, $0x1;
	s10 =	sld [smem:$0x3FB9];
	_ =	sdelay $0x3  }
0x37: {  	[smem:$0x3FB9] =	sst s10  }
0x38: {  	s10 =	sld [smem:$0x3FBA]  }
0x39: {  	_ = 	snop;
	(pc) =	sbr.ind lr, $3  }
0x3a: {  	_ = 	snop  }
0x3b: {  	_ = 	snop  }
0x3c: {  	p2 =	seq.s32 s10, $0x1;
	s10 =	sld [smem:$0x3FB9]  }
0x3d: {  	_ =	shalt  }
0x3e: {  	_ =	shalt  }
0x3f: {  	_ =	shalt  }
0x40: {  	_ =	shalt  }
0x41: {  	_ =	shalt  }
0x42: {  	_ =	shalt  }
0x43: {  	_ =	shalt  }
0x44: {  	_ =	shalt  }
0x45: {  	_ =	shalt  }
0x46: {  	_ =	shalt  }
0x47: {  	_ =	shalt  }
0x48: {  	_ =	shalt  }
0x49: {  	_ =	shalt  }
0x4a: {  	_ =	shalt  }
0x4b: {  	_ =	shalt  }
0x4c: {  	_ =	shalt  }
0x4d: {  	_ =	shalt  }
0x4e: {  	_ =	shalt  }
0x4f: {  	_ =	shalt  }
0x50: {  	_ =	shalt  }
0x51: {  	_ =	shalt  }
0x52: {  	_ =	shalt  }
0x53: {  	_ =	shalt  }
0x54: {  	_ =	shalt  }
0x55: {  	_ =	shalt  }
0x56: {  	_ =	shalt  }
0x57: {  	_ =	shalt  }
0x58: {  	_ =	shalt  }
0x59: {  	_ =	shalt  }
0x5a: {  	_ =	shalt  }
0x5b: {  	_ =	shalt  }
0x5c: {  	_ =	shalt  }
0x5d: {  	_ =	shalt  }
0x5e: {  	_ =	shalt  }
0x5f: {  	_ =	shalt  }
0x60: {  	_ =	shalt  }
0x61: {  	_ =	shalt  }
0x62: {  	_ =	shalt  }
0x63: {  	_ =	shalt  }
0x64: {  	_ =	shalt  }
0x65: {  	_ =	shalt  }
0x66: {  	_ =	shalt  }
0x67: {  	_ =	shalt  }
0x68: {  	_ =	shalt  }
0x69: {  	_ =	shalt  }
0x6a: {  	_ =	shalt  }
0x6b: {  	_ =	shalt  }
0x6c: {  	_ =	shalt  }
0x6d: {  	_ =	shalt  }
0x6e: {  	_ =	shalt  }
0x6f: {  	_ =	shalt  }
0x70: {  	_ =	shalt  }
0x71: {  	_ =	shalt  }
0x72: {  	_ =	shalt  }
0x73: {  	_ =	shalt  }
0x74: {  	_ =	shalt  }
0x75: {  	_ =	shalt  }
0x76: {  	_ =	shalt  }
0x77: {  	_ =	shalt  }
0x78: {  	_ =	shalt  }
0x79: {  	_ =	shalt  }
0x7a: {  	_ =	shalt  }
0x7b: {  	_ =	shalt  }
0x7c: {  	_ =	shalt  }
0x7d: {  	_ =	shalt  }
0x7e: {  	_ =	shalt  }
0x7f: {  	_ =	shalt  }
0x80: {  	_ =	shalt  }
0x81: {  	_ =	shalt  }
0x82: {  	_ =	shalt  }
0x83: {  	_ =	shalt  }
0x84: {  	_ =	shalt  }
0x85: {  	_ =	shalt  }
0x86: {  	_ =	shalt  }
0x87: {  	_ =	shalt  }
.Lfunc_end0:
.L_simem_size_0:
called_computation_lowered:
.L_overlay_start_0:
0x88: {  	s2 =	sld [smem:$0x3FD9]  }
0x89: {  	s3 =	sld [smem:$0x3FFE];
	_ =	sdelay $0x1  }
0x8a: {  	s1 =	srdreg.scid  }
0x8b: {  	s0 =	sand.u32 $0x1, s1  }
0x8c: {  	s18 =	sshll.u32 s0, $0xA;
	s2 =	sadd.s32 s3, s2  }
0x8d: {  	s2 =	sadd.s32 s2, s18  }
0x8e: {  	[smem:$0x3FC5] =	sst s2  }
0x8f: {  	_ = 	snop  }
0x90: {  	s2 =	sld [smem:$0x3FC9]  }
0x91: {  	s19 =	sld [smem:$0x3FC8]  }
0x92: {  	s4 =	sld [smem:$0x3FC7]  }
0x93: {  	s5 =	sld [smem:$0x3FD0];
	(tm) =	ssettm $0x1  }
0x94: {  	s6 =	sld [smem:$0x3FFB];
	_ =	sdelay $0x3  }
0x95: {  	_ =	strace s6  }
0x96: {  	s6 =	sld [smem:$0x3FFC];
	_ =	sdelay $0x3  }
0x97: {  	_ =	strace s6  }
0x98: {  	s6 =	sld [smem:$0x3FFD];
	_ =	sdelay $0x3  }
0x99: {  	_ =	strace s6  }
0x9a: {  	_ =	strace $0x8FFFFFFF  }
0x9b: {  	s20 =	sld [smem:$0x3FDB];
	_ =	sdelay $0x1  }
0x9c: {  	s7 =	simm.s32 $_scs_section_size  }
0x9d: {  	s8 =	simm.s32 $_size__tile_overlayer_lowered;
	s9 =	simm.s32 $_tile_overlayer_lowered  }
0x9e: {  	s23 =	simm.s32 $0x1BFF;
	s22 =	sshll.u32 s9, $0x1;
	s6 =	sadd.s32 s7, s20  }
0x9f: {  	s10 =	simm.s32 $0x0;
	s21 =	sshll.u32 s8, $0x1;
	s8 =	sadd.s32 s22, s6  }
0xa0: {  	[timem:s10], [sflag:s23] =	dma.local [hbm:s8], s21  }
0xa1: {  	_ =	swait.ge [sflag:s23], s21  }
0xa2: {  	s7 =	ssub.s32 $0x0, s21;
	[sflag:s23] =	ssyncset.done $0x0  }
0xa3: {  	[sflag:s23] =	ssyncadd.s32 s7;
	_ =	sdelay $0x1  }
0xa4: {  	s24 =	simm.s32 $0x1B8B  }
0xa5: {  	_ =	swait.ge [sflag:s24], $0x1  }
0xa6: {  	[sflag:s24] =	ssyncset.done $0x0  }
0xa7: {  	s25 =	simm.s32 $0x1B8E;
	[sflag:s24] =	ssyncadd.s32 $0xFFFFFFFF  }
0xa8: {  	s26 =	simm.s32 $execute0_lowered;
	[smem:$0x3FD2] =	sst s25  }
0xa9: {  	s7 =	sshll.u32 s26, $0x1;
	_ =	strace $0x80000046;
	[dreg:$0x1] =	wrdreg $0xFFFFFFFF  }
0xaa: {  	s28 =	simm.s32 $_size_execute0_lowered;
	s6 =	sadd.s32 s6, s7;
	[dreg:$0x0] =	wrdreg $0x0  }
0xab: {  	s7 =	sshll.u32 s28, $0x1;
	[dreg:$0x2] =	wrdreg s6  }
0xac: {  	[dreg:$0x3] =	wrdreg s7  }
0xad: {  	[dreg:$0x4] =	wrdreg $0xC0  }
0xae: {  	_ =	task [dreg:s10], $0x5FFFF  }
0xaf: {  	[dreg:$0x1] =	wrdreg $0xFFFFFFFF  }
0xb0: {  	[dreg:$0x0] =	wrdreg $0x60  }
0xb1: {  	[dreg:$0x2] =	wrdreg s2  }
0xb2: {  	[dreg:$0x3] =	wrdreg s19  }
0xb3: {  	[dreg:$0x4] =	wrdreg s4  }
0xb4: {  	[dreg:$0x5] =	wrdreg s5  }
0xb5: {  	[dreg:$0x6] =	wrdreg $0x9  }
0xb6: {  	_ =	task.clear_ibuf [dreg:s10], $0x7FFFF;
	_ =	strace $0x90000046  }
0xb7: {  	s29 =	simm.s32 $0x9;
	_ =	strace $0x80000048  }
0xb8: {  	_ =	swait.ge [sflag:s29], $0x1  }
0xb9: {  	[sflag:s29] =	ssyncadd.s32 $0xFFFFFFFF  }
0xba: {  	_ =	strace $0x90000048  }
0xbb: {  	_ =	sfence  }
0xbc: {  	s30 =	sld [smem:$0x0];
	_ =	sdelay $0x2  }
0xbd: {  	s31 =	sshll.u32 s1, $0xD;
	s1 =	sshrl.u32 s1, $0x2  }
0xbe: {  	s3 =	sand.u32 $0x4000, s31;
	s1 =	sadd.s32 s1, s30  }
0xbf: {  	s0 =	sor.u32 s3, s0;
	s1 =	sshll.u32 s1, $0x11  }
0xc0: {  	s0 =	sor.u32 s1, s0  }
0xc1: {  	s0 =	sadd.s32 $0x8F2B, s0  }
0xc2: {  	[sflag:s0] =	ssyncadd.remote.s32 $0x1  }
0xc3: {  	_ =	sfence.sel $0xFFFF  }
0xc4: {  	[dreg:$0x0] =	wrdreg $0xFFFFFFFF;
	(pc) =	sbr.abs _section_cstart, $3  }
0xc5: {  	[dreg:$0x1] =	wrdreg $0xFFFFFFFF  }
0xc6: {  	_ =	task.clear_ibuf [dreg:s10], $0x2FFFF;
	_ =	strace $0x9FFFFFFF  }
0xc7: {  	(tm) =	ssettm $0x7FFFFFFF  }
tec
execute0_lowered:
.L_overlay_start_1:
0x0: {  	(tag) =	ssettag $0x1  }
0x1: {  	s1 =	rddreg [dreg:$0x0]  }
0x2: {  	s2 =	rddreg [dreg:$0x1]  }
0x3: {  	s8 =	rddreg [dreg:$0x2]  }
0x4: {  	s3 =	srdreg.scid;
	s0 =	stileid.u32  }
0x5: {  	s12 =	rddreg [dreg:$0x3];
	s15 =	simm.s32 $0x4500;
	s16 =	simm.s32 $0x7E00  }
0x6: {  	s17 =	simm.s32 $0x12000;
	s18 =	simm.s32 $0x1;
	s19 =	simm.s32 $0x9000  }
0x7: {  	s20 =	simm.s32 $0x3900;
	s21 =	simm.s32 $0x9C00;
	s22 =	simm.s32 $0x3  }
0x8: {  	s23 =	simm.s32 $0x2;
	s4 =	sand.u32 $0x1, s3;
	s31 =	sshll.u32 s0, $0x1  }
0x9: {  	s24 =	simm.s32 $0xD500;
	s25 =	simm.s32 $0x1200;
	s5 =	sor.u32 s4, s31  }
0xa: {  	s26 =	simm.s32 $0x10E00;
	s4 =	ssub.s32 $0x2, s4;
	s5 =	smul.u32 $0x9000, s5  }
0xb: {  	s28 =	simm.s32 $0x0;
	s3 =	simm.s32 $0x0;
	s6 =	sshrl.u32 s4, $0x1  }
0xc: {  	[smem:$0x7FF] =	sst s3;
	s13 =	ssub.s32 s4, s6;
	s9 =	sshrl.u32 s5, $0x3  }
0xd: {  	_ =	strace $0x80000047;
	s13 =	smax.u32 s13, $0x1;
	s4 =	sadd.s32 s2, s9  }
0xe: {  	s10 =	sor.u32 $0x180, s9;
	s11 =	sadd.s32 $0x8A0, s9;
	s14 =	sadd.s32 $0xFC0, s9  }
0xf: {  	s8 =	sadd.s32 s8, s9;
	s9 =	sadd.s32 s12, s9;
	s5 =	sadd.s32 s2, s10  }
0x10: {  	s6 =	sadd.s32 s2, s11;
	s7 =	sadd.s32 s2, s14;
	s10 =	sadd.s32 s12, s10  }
0x11: {  	s11 =	sadd.s32 s12, s11;
	s12 =	sadd.s32 s12, s14;
	s14 =	simm.s32 $0xC00  }
.LBB2_1:
0x12: {  	[tilespmem:s3], [sflag:$0x1] =	stream.linear.gather [hbm4b:s4+s3], $0xC00, $0x38;
	[tilespmem:$0x1B000] =	vst v63  }
0x13: {  	_ = 	snop  }
0x14: {  	[tilespmem:s14], [sflag:$0x1] =	stream.linear.gather [hbm4b:s5+s3], $0x3900, $0x38;
	[tilespmem:$0x1B000] =	vst v63  }
0x15: {  	_ = 	snop  }
0x16: {  	[tilespmem:s15], [sflag:$0x1] =	stream.linear.gather [hbm4b:s6+s3], $0x3900, $0x38;
	[tilespmem:$0x1B000] =	vst v63  }
0x17: {  	_ = 	snop  }
0x18: {  	[tilespmem:s16], [sflag:$0x1] =	stream.linear.gather [hbm4b:s7+s3], $0x1200, $0x38;
	[tilespmem:$0x1B000] =	vst v63  }
0x19: {  	_ = 	snop  }
0x1a: {  	[tilespmem:s17], [sflag:$0x3] =	stream.linear.gather [hbm4b:s8+s3], $0x9000, $0x38;
	[tilespmem:$0x1B000] =	vst v63  }
0x1b: {  	_ =	swait.ge [sflag:s18], $0xC00  }
0x1c: {  	[sflag:s18] =	ssyncset.done $0x0  }
0x1d: {  	[sflag:s18] =	ssyncadd.s32 $0xFFFFF400  }
0x1e: {  	[tilespmem:s19], [sflag:$0x2] =	stream.indirect.gather [hbm4b:s1+s14], $0x1, s3, s14, $0xb8;
	[tilespmem:$0x1B000] =	vst v63  }
0x1f: {  	_ =	swait.ge [sflag:s18], $0x3900  }
0x20: {  	[sflag:s18] =	ssyncset.done $0x0  }
0x21: {  	[sflag:s18] =	ssyncadd.s32 $0xFFFFC700  }
0x22: {  	[tilespmem:s21], [sflag:$0x2] =	stream.indirect.gather [hbm4b:s1+s20], $0x1, s14, s20, $0xb8;
	[tilespmem:$0x1B000] =	vst v63  }
0x23: {  	_ =	swait.ge [sflag:s22], $0x9000  }
0x24: {  	[sflag:s22] =	ssyncset.done $0x0  }
0x25: {  	[sflag:s22] =	ssyncadd.s32 $0xFFFF7000  }
0x26: {  	_ =	swait.ge [sflag:s23], $0xC00  }
0x27: {  	[sflag:s23] =	ssyncset.done $0x0  }
0x28: {  	s29 =	simm.s32 $0x9040;
	[sflag:s23] =	ssyncadd.s32 $0xFFFFF400  }
0x29: {  	s30 =	simm.s32 $0x12040;
	v0 =	vld [tilespmem:s29+$0xFFFFFFC0]  }
0x2a: {  	v1 =	vld [tilespmem:s30+$0xFFFFFFC0];
	_ =	sdelay $0x4  }
0x2b: {  	v0 =	vmul.f32 v1, v0;
	_ =	sdelay $0x1  }
0x2c: {  	[tilespmem:s29+$0xFFFFFFC0] =	vst v0;
	v0 =	vld [tilespmem:s29+$0xFFFFFFD0]  }
0x2d: {  	v1 =	vld [tilespmem:s30+$0xFFFFFFD0];
	_ =	sdelay $0x4  }
0x2e: {  	v0 =	vmul.f32 v1, v0;
	_ =	sdelay $0x1  }
0x2f: {  	[tilespmem:s29+$0xFFFFFFD0] =	vst v0;
	v0 =	vld [tilespmem:s29+$0xFFFFFFE0]  }
0x30: {  	v1 =	vld [tilespmem:s30+$0xFFFFFFE0];
	_ =	sdelay $0x4  }
0x31: {  	v0 =	vmul.f32 v1, v0;
	_ =	sdelay $0x1  }
0x32: {  	[tilespmem:s29+$0xFFFFFFE0] =	vst v0;
	v0 =	vld [tilespmem:s29+$0xFFFFFFF0]  }
0x33: {  	v1 =	vld [tilespmem:s30+$0xFFFFFFF0];
	_ =	sdelay $0x4  }
0x34: {  	v0 =	vmul.f32 v1, v0;
	_ =	sdelay $0x1  }
0x35: {  	[tilespmem:s29+$0xFFFFFFF0] =	vst v0;
	v0 =	vld [tilespmem:s29+$0x0]  }
0x36: {  	v1 =	vld [tilespmem:s30+$0x0];
	_ =	sdelay $0x4  }
0x37: {  	v0 =	vmul.f32 v1, v0;
	_ =	sdelay $0x1  }
0x38: {  	[tilespmem:s29+$0x0] =	vst v0;
	v0 =	vld [tilespmem:s29+$0x10]  }
0x39: {  	v1 =	vld [tilespmem:s30+$0x10];
	_ =	sdelay $0x4  }
0x3a: {  	v0 =	vmul.f32 v1, v0;
	_ =	sdelay $0x1  }
0x3b: {  	[tilespmem:s29+$0x10] =	vst v0;
	v0 =	vld [tilespmem:s29+$0x20]  }
0x3c: {  	v1 =	vld [tilespmem:s30+$0x20];
	_ =	sdelay $0x4  }
0x3d: {  	v0 =	vmul.f32 v1, v0;
	_ =	sdelay $0x1  }
0x3e: {  	[tilespmem:s29+$0x20] =	vst v0;
	v0 =	vld [tilespmem:s29+$0x30]  }
0x3f: {  	v1 =	vld [tilespmem:s30+$0x30];
	_ =	sdelay $0x4  }
0x40: {  	v0 =	vmul.f32 v1, v0  }
0x41: {  	s31 =	simm.s32 $0x0;
	s2 =	simm.s32 $0x90C0  }
.LBB2_2:
0x42: {  	v1 =	vld [tilespmem:s2+$0xFFFFFFC0];
	[tilespmem:s29+$0x30] =	vst v0;
	s30 =	sadd.s32 $0x80, s30;
	s29 =	smov.u32 s2  }
0x43: {  	s31 =	sadd.s32 $0x8, s31;
	v0 =	vld [tilespmem:s30+$0xFFFFFFC0]  }
0x44: {  	p0 =	slt.u32 s31, $0xB8;
	_ =	sdelay $0x3  }
0x45: {  	v0 =	vmul.f32 v0, v1;
	_ =	sdelay $0x1  }
0x46: {  	[tilespmem:s2+$0xFFFFFFC0] =	vst v0;
	v0 =	vld [tilespmem:s2+$0xFFFFFFD0]  }
0x47: {  	v1 =	vld [tilespmem:s30+$0xFFFFFFD0];
	_ =	sdelay $0x4  }
0x48: {  	v0 =	vmul.f32 v1, v0;
	_ =	sdelay $0x1  }
0x49: {  	[tilespmem:s2+$0xFFFFFFD0] =	vst v0;
	v0 =	vld [tilespmem:s2+$0xFFFFFFE0]  }
0x4a: {  	v1 =	vld [tilespmem:s30+$0xFFFFFFE0];
	_ =	sdelay $0x4  }
0x4b: {  	v0 =	vmul.f32 v1, v0;
	_ =	sdelay $0x1  }
0x4c: {  	[tilespmem:s2+$0xFFFFFFE0] =	vst v0;
	v0 =	vld [tilespmem:s2+$0xFFFFFFF0]  }
0x4d: {  	v1 =	vld [tilespmem:s30+$0xFFFFFFF0];
	_ =	sdelay $0x4  }
0x4e: {  	v0 =	vmul.f32 v1, v0;
	_ =	sdelay $0x1  }
0x4f: {  	[tilespmem:s2+$0xFFFFFFF0] =	vst v0;
	v0 =	vld [tilespmem:s2+$0x0]  }
0x50: {  	v1 =	vld [tilespmem:s30+$0x0];
	_ =	sdelay $0x4  }
0x51: {  	v0 =	vmul.f32 v1, v0;
	_ =	sdelay $0x1  }
0x52: {  	[tilespmem:s2+$0x0] =	vst v0;
	v0 =	vld [tilespmem:s2+$0x10]  }
0x53: {  	v1 =	vld [tilespmem:s30+$0x10];
	_ =	sdelay $0x4  }
0x54: {  	v0 =	vmul.f32 v1, v0;
	_ =	sdelay $0x1  }
0x55: {  	[tilespmem:s2+$0x10] =	vst v0;
	v0 =	vld [tilespmem:s2+$0x20]  }
0x56: {  	v1 =	vld [tilespmem:s30+$0x20];
	_ =	sdelay $0x4  }
0x57: {  	v0 =	vmul.f32 v1, v0;
	_ =	sdelay $0x1  }
0x58: {  	[tilespmem:s2+$0x20] =	vst v0;
	v0 =	vld [tilespmem:s2+$0x30]  }
0x59: {  	v1 =	vld [tilespmem:s30+$0x30];
	_ =	sdelay $0x1  }
.Ltmp0:
0x5a: {  	(pc) =	sbr.rel @p0 .LBB2_2-.Ltmp0, $3  }
0x5b: {  	_ =	sdelay $0x1  }
0x5c: {  	v0 =	vmul.f32 v1, v0  }
0x5d: {  	s2 =	sadd.s32 $0x80, s2  }
0x5e: {  	[tilespmem:s29+$0x30] =	vst v0  }
0x5f: {  	[hbm4b:s9+s3] =	stream.linear.scatter [tilespmem:s19], [sflag:$0x3], $0xC00, $0x38;
	[tilespmem:$0x1B000] =	vst v63  }
0x60: {  	_ =	swait.ge [sflag:s18], $0x3900  }
0x61: {  	[sflag:s18] =	ssyncset.done $0x0  }
0x62: {  	[sflag:s18] =	ssyncadd.s32 $0xFFFFC700  }
0x63: {  	[tilespmem:s24], [sflag:$0x2] =	stream.indirect.gather [hbm4b:s1+s20], $0x1, s15, s20, $0xb8;
	[tilespmem:$0x1B000] =	vst v63  }
0x64: {  	_ =	swait.ge [sflag:s23], $0x3900  }
0x65: {  	[sflag:s23] =	ssyncset.done $0x0  }
0x66: {  	s29 =	simm.s32 $0x9C70;
	[sflag:s23] =	ssyncadd.s32 $0xFFFFC700  }
0x67: {  	s30 =	simm.s32 $0x12C70;
	v0 =	vld [tilespmem:s29+$0xFFFFFF90]  }
0x68: {  	v1 =	vld [tilespmem:s30+$0xFFFFFF90];
	_ =	sdelay $0x4  }
0x69: {  	v0 =	vmul.f32 v1, v0;
	_ =	sdelay $0x1  }
0x6a: {  	[tilespmem:s29+$0xFFFFFF90] =	vst v0;
	v0 =	vld [tilespmem:s29+$0xFFFFFFA0]  }
0x6b: {  	v1 =	vld [tilespmem:s30+$0xFFFFFFA0];
	_ =	sdelay $0x4  }
0x6c: {  	v0 =	vmul.f32 v1, v0;
	_ =	sdelay $0x1  }
0x6d: {  	[tilespmem:s29+$0xFFFFFFA0] =	vst v0;
	v0 =	vld [tilespmem:s29+$0xFFFFFFB0]  }
0x6e: {  	v1 =	vld [tilespmem:s30+$0xFFFFFFB0];
	_ =	sdelay $0x4  }
0x6f: {  	v0 =	vmul.f32 v1, v0;
	_ =	sdelay $0x1  }
0x70: {  	[tilespmem:s29+$0xFFFFFFB0] =	vst v0;
	v0 =	vld [tilespmem:s29+$0xFFFFFFC0]  }
0x71: {  	v1 =	vld [tilespmem:s30+$0xFFFFFFC0];
	_ =	sdelay $0x4  }
0x72: {  	v0 =	vmul.f32 v1, v0;
	_ =	sdelay $0x1  }
0x73: {  	[tilespmem:s29+$0xFFFFFFC0] =	vst v0;
	v0 =	vld [tilespmem:s29+$0xFFFFFFD0]  }
0x74: {  	v1 =	vld [tilespmem:s30+$0xFFFFFFD0];
	_ =	sdelay $0x4  }
0x75: {  	v0 =	vmul.f32 v1, v0;
	_ =	sdelay $0x1  }
0x76: {  	[tilespmem:s29+$0xFFFFFFD0] =	vst v0;
	v0 =	vld [tilespmem:s29+$0xFFFFFFE0]  }
0x77: {  	v1 =	vld [tilespmem:s30+$0xFFFFFFE0];
	_ =	sdelay $0x4  }
0x78: {  	v0 =	vmul.f32 v1, v0;
	_ =	sdelay $0x1  }
0x79: {  	[tilespmem:s29+$0xFFFFFFE0] =	vst v0;
	v0 =	vld [tilespmem:s29+$0xFFFFFFF0]  }
0x7a: {  	v1 =	vld [tilespmem:s30+$0xFFFFFFF0];
	_ =	sdelay $0x4  }
0x7b: {  	v0 =	vmul.f32 v1, v0;
	_ =	sdelay $0x1  }
0x7c: {  	[tilespmem:s29+$0xFFFFFFF0] =	vst v0;
	v0 =	vld [tilespmem:s29+$0x0]  }
0x7d: {  	v1 =	vld [tilespmem:s30+$0x0];
	_ =	sdelay $0x4  }
0x7e: {  	v0 =	vmul.f32 v1, v0  }
0x7f: {  	s31 =	simm.s32 $0x0;
	s2 =	simm.s32 $0x9CF0  }
.LBB2_4:
0x80: {  	v1 =	vld [tilespmem:s2+$0xFFFFFF90];
	[tilespmem:s29+$0x0] =	vst v0;
	s30 =	sadd.s32 $0x80, s30;
	s29 =	smov.u32 s2  }
0x81: {  	s31 =	sadd.s32 $0x8, s31;
	v0 =	vld [tilespmem:s30+$0xFFFFFF90]  }
0x82: {  	p0 =	slt.u32 s31, $0x388;
	_ =	sdelay $0x3  }
0x83: {  	v0 =	vmul.f32 v0, v1;
	_ =	sdelay $0x1  }
0x84: {  	[tilespmem:s2+$0xFFFFFF90] =	vst v0;
	v0 =	vld [tilespmem:s2+$0xFFFFFFA0]  }
0x85: {  	v1 =	vld [tilespmem:s30+$0xFFFFFFA0];
	_ =	sdelay $0x4  }
0x86: {  	v0 =	vmul.f32 v1, v0;
	_ =	sdelay $0x1  }
0x87: {  	[tilespmem:s2+$0xFFFFFFA0] =	vst v0;
	v0 =	vld [tilespmem:s2+$0xFFFFFFB0]  }
0x88: {  	v1 =	vld [tilespmem:s30+$0xFFFFFFB0];
	_ =	sdelay $0x4  }
0x89: {  	v0 =	vmul.f32 v1, v0;
	_ =	sdelay $0x1  }
0x8a: {  	[tilespmem:s2+$0xFFFFFFB0] =	vst v0;
	v0 =	vld [tilespmem:s2+$0xFFFFFFC0]  }
0x8b: {  	v1 =	vld [tilespmem:s30+$0xFFFFFFC0];
	_ =	sdelay $0x4  }
0x8c: {  	v0 =	vmul.f32 v1, v0;
	_ =	sdelay $0x1  }
0x8d: {  	[tilespmem:s2+$0xFFFFFFC0] =	vst v0;
	v0 =	vld [tilespmem:s2+$0xFFFFFFD0]  }
0x8e: {  	v1 =	vld [tilespmem:s30+$0xFFFFFFD0];
	_ =	sdelay $0x4  }
0x8f: {  	v0 =	vmul.f32 v1, v0;
	_ =	sdelay $0x1  }
0x90: {  	[tilespmem:s2+$0xFFFFFFD0] =	vst v0;
	v0 =	vld [tilespmem:s2+$0xFFFFFFE0]  }
0x91: {  	v1 =	vld [tilespmem:s30+$0xFFFFFFE0];
	_ =	sdelay $0x4  }
0x92: {  	v0 =	vmul.f32 v1, v0;
	_ =	sdelay $0x1  }
0x93: {  	[tilespmem:s2+$0xFFFFFFE0] =	vst v0;
	v0 =	vld [tilespmem:s2+$0xFFFFFFF0]  }
0x94: {  	v1 =	vld [tilespmem:s30+$0xFFFFFFF0];
	_ =	sdelay $0x4  }
0x95: {  	v0 =	vmul.f32 v1, v0;
	_ =	sdelay $0x1  }
0x96: {  	[tilespmem:s2+$0xFFFFFFF0] =	vst v0;
	v0 =	vld [tilespmem:s2+$0x0]  }
0x97: {  	v1 =	vld [tilespmem:s30+$0x0];
	_ =	sdelay $0x1  }
.Ltmp1:
0x98: {  	(pc) =	sbr.rel @p0 .LBB2_4-.Ltmp1, $3  }
0x99: {  	_ =	sdelay $0x1  }
0x9a: {  	v0 =	vmul.f32 v1, v0  }
0x9b: {  	s2 =	sadd.s32 $0x80, s2  }
0x9c: {  	[tilespmem:s29+$0x0] =	vst v0;
	s2 =	simm.s32 $0x0  }
0x9d: {  	[hbm4b:s10+s2] =	stream.linear.scatter [tilespmem:s21], [sflag:$0x3], $0x3900, $0x38;
	[tilespmem:$0x1B000] =	vst v63  }
0x9e: {  	_ =	swait.ge [sflag:s18], $0x1200  }
0x9f: {  	[sflag:s18] =	ssyncset.done $0x0  }
0xa0: {  	[sflag:s18] =	ssyncadd.s32 $0xFFFFEE00  }
0xa1: {  	[tilespmem:s26], [sflag:$0x2] =	stream.indirect.gather [hbm4b:s1+s25], $0x1, s16, s25, $0xb8;
	[tilespmem:$0x1B000] =	vst v63  }
0xa2: {  	_ =	swait.ge [sflag:s23], $0x3900  }
0xa3: {  	[sflag:s23] =	ssyncset.done $0x0  }
0xa4: {  	s2 =	simm.s32 $0x0;
	[sflag:s23] =	ssyncadd.s32 $0xFFFFC700  }
0xa5: {  	v3 =	vld [tilespmem:s2+$0xD550]  }
0xa6: {  	v1 =	vld [tilespmem:s2+$0x16570]  }
0xa7: {  	v2 =	vld [tilespmem:s2+$0xD570]  }
0xa8: {  	v4 =	vld [tilespmem:s2+$0x16560]  }
0xa9: {  	v5 =	vld [tilespmem:s2+$0xD560]  }
0xaa: {  	v6 =	vld [tilespmem:s2+$0x16550]  }
0xab: {  	v0 =	vld [tilespmem:s2+$0xD540]  }
0xac: {  	v7 =	vld [tilespmem:s2+$0x16530]  }
0xad: {  	v8 =	vld [tilespmem:s2+$0xD530]  }
0xae: {  	v2 =	vmul.f32 v1, v2;
	v1 =	vld [tilespmem:s2+$0x16520]  }
0xaf: {  	v5 =	vmul.f32 v4, v5;
	v4 =	vld [tilespmem:s2+$0x16510]  }
0xb0: {  	v6 =	vmul.f32 v6, v3;
	v3 =	vld [tilespmem:s2+$0x16500]  }
0xb1: {  	[tilespmem:s2+$0xD570] =	vst v2;
	v2 =	vld [tilespmem:s2+$0xD520]  }
0xb2: {  	[tilespmem:s2+$0xD550] =	vst v6;
	v6 =	vld [tilespmem:s2+$0xD510]  }
0xb3: {  	s29 =	simm.s32 $0x0;
	s30 =	simm.s32 $0x200;
	v7 =	vmul.f32 v7, v8;
	[tilespmem:s2+$0xD560] =	vst v5;
	v5 =	vld [tilespmem:s2+$0x16540]  }
.LBB2_6:
0xb4: {  	s31 =	sshra.s32 s30, $0x2;
	s29 =	sadd.s32 $0x8, s29;
	v8 =	vld [tilespmem:s2+$0xD500]  }
0xb5: {  	v9 =	vld [tilespmem:s31+$0xD550];
	p0 =	slt.u32 s29, $0x388  }
0xb6: {  	v10 =	vld [tilespmem:s31+$0x16570]  }
0xb7: {  	v11 =	vld [tilespmem:s31+$0xD570];
	v4 =	vmul.f32 v4, v6;
	[tilespmem:s2+$0xD530] =	vst v7  }
0xb8: {  	v1 =	vmul.f32 v1, v2;
	v6 =	vld [tilespmem:s31+$0x16560];
	v0 =	vmul.f32 v5, v0  }
0xb9: {  	v2 =	vld [tilespmem:s31+$0xD560];
	v3 =	vmul.f32 v3, v8;
	[tilespmem:s2+$0xD510] =	vst v4  }
0xba: {  	v4 =	vld [tilespmem:s31+$0x16550];
	[tilespmem:s2+$0xD540] =	vst v0  }
0xbb: {  	v0 =	vld [tilespmem:s31+$0xD540];
	[tilespmem:s2+$0xD520] =	vst v1  }
0xbc: {  	v5 =	vld [tilespmem:s31+$0x16530];
	v7 =	vmul.f32 v10, v11;
	[tilespmem:s2+$0xD500] =	vst v3;
	s2 =	smov.u32 s31  }
0xbd: {  	v8 =	vld [tilespmem:s2+$0xD530]  }
0xbe: {  	v1 =	vld [tilespmem:s2+$0x16520];
	v3 =	vmul.f32 v6, v2;
	[tilespmem:s2+$0xD570] =	vst v7  }
.Ltmp2:
0xbf: {  	v2 =	vld [tilespmem:s2+$0xD520];
	v6 =	vmul.f32 v4, v9;
	(pc) =	sbr.rel @p0 .LBB2_6-.Ltmp2, $4  }
0xc0: {  	v4 =	vld [tilespmem:s2+$0x16510];
	[tilespmem:s2+$0xD560] =	vst v3  }
0xc1: {  	v3 =	vld [tilespmem:s2+$0x16500];
	[tilespmem:s2+$0xD550] =	vst v6  }
0xc2: {  	v6 =	vld [tilespmem:s2+$0xD510];
	v7 =	vmul.f32 v5, v8  }
0xc3: {  	s30 =	sadd.s32 $0x200, s30;
	v5 =	vld [tilespmem:s2+$0x16540]  }
0xc4: {  	v8 =	vld [tilespmem:s2+$0xD500];
	_ =	sdelay $0x1  }
0xc5: {  	v1 =	vmul.f32 v1, v2  }
0xc6: {  	[tilespmem:s2+$0xD530] =	vst v7;
	v4 =	vmul.f32 v4, v6  }
0xc7: {  	[tilespmem:s2+$0xD520] =	vst v1;
	v0 =	vmul.f32 v5, v0  }
0xc8: {  	[tilespmem:s2+$0xD510] =	vst v4;
	v2 =	vmul.f32 v3, v8  }
0xc9: {  	[tilespmem:s2+$0xD540] =	vst v0  }
0xca: {  	s31 =	simm.s32 $0x0;
	[tilespmem:s2+$0xD500] =	vst v2  }
0xcb: {  	[hbm4b:s11+s31] =	stream.linear.scatter [tilespmem:s24], [sflag:$0x3], $0x3900, $0x38;
	[tilespmem:$0x1B000] =	vst v63  }
0xcc: {  	_ =	swait.ge [sflag:s23], $0x1200  }
0xcd: {  	[sflag:s23] =	ssyncset.done $0x0  }
0xce: {  	s2 =	simm.s32 $0x0;
	[sflag:s23] =	ssyncadd.s32 $0xFFFFEE00  }
0xcf: {  	v3 =	vld [tilespmem:s2+$0x10E50]  }
0xd0: {  	v1 =	vld [tilespmem:s2+$0x19E70]  }
0xd1: {  	v2 =	vld [tilespmem:s2+$0x10E70]  }
0xd2: {  	v4 =	vld [tilespmem:s2+$0x19E60]  }
0xd3: {  	v5 =	vld [tilespmem:s2+$0x10E60]  }
0xd4: {  	v6 =	vld [tilespmem:s2+$0x19E50]  }
0xd5: {  	v0 =	vld [tilespmem:s2+$0x10E40]  }
0xd6: {  	v7 =	vld [tilespmem:s2+$0x19E30]  }
0xd7: {  	v8 =	vld [tilespmem:s2+$0x10E30]  }
0xd8: {  	v2 =	vmul.f32 v1, v2;
	v1 =	vld [tilespmem:s2+$0x19E20]  }
0xd9: {  	v5 =	vmul.f32 v4, v5;
	v4 =	vld [tilespmem:s2+$0x19E10]  }
0xda: {  	v6 =	vmul.f32 v6, v3;
	v3 =	vld [tilespmem:s2+$0x19E00]  }
0xdb: {  	[tilespmem:s2+$0x10E70] =	vst v2;
	v2 =	vld [tilespmem:s2+$0x10E20]  }
0xdc: {  	[tilespmem:s2+$0x10E50] =	vst v6;
	v6 =	vld [tilespmem:s2+$0x10E10]  }
0xdd: {  	s29 =	simm.s32 $0x0;
	s30 =	simm.s32 $0x200;
	v7 =	vmul.f32 v7, v8;
	[tilespmem:s2+$0x10E60] =	vst v5;
	v5 =	vld [tilespmem:s2+$0x19E40]  }
.LBB2_8:
0xde: {  	s31 =	sshra.s32 s30, $0x2;
	s29 =	sadd.s32 $0x8, s29;
	v8 =	vld [tilespmem:s2+$0x10E00]  }
0xdf: {  	v9 =	vld [tilespmem:s31+$0x10E50];
	p0 =	slt.u32 s29, $0x118  }
0xe0: {  	v10 =	vld [tilespmem:s31+$0x19E70]  }
0xe1: {  	v11 =	vld [tilespmem:s31+$0x10E70];
	v4 =	vmul.f32 v4, v6;
	[tilespmem:s2+$0x10E30] =	vst v7  }
0xe2: {  	v1 =	vmul.f32 v1, v2;
	v6 =	vld [tilespmem:s31+$0x19E60];
	v0 =	vmul.f32 v5, v0  }
0xe3: {  	v2 =	vld [tilespmem:s31+$0x10E60];
	v3 =	vmul.f32 v3, v8;
	[tilespmem:s2+$0x10E10] =	vst v4  }
0xe4: {  	v4 =	vld [tilespmem:s31+$0x19E50];
	[tilespmem:s2+$0x10E40] =	vst v0  }
0xe5: {  	v0 =	vld [tilespmem:s31+$0x10E40];
	[tilespmem:s2+$0x10E20] =	vst v1  }
0xe6: {  	v5 =	vld [tilespmem:s31+$0x19E30];
	v7 =	vmul.f32 v10, v11;
	[tilespmem:s2+$0x10E00] =	vst v3;
	s2 =	smov.u32 s31  }
0xe7: {  	v8 =	vld [tilespmem:s2+$0x10E30]  }
0xe8: {  	v1 =	vld [tilespmem:s2+$0x19E20];
	v3 =	vmul.f32 v6, v2;
	[tilespmem:s2+$0x10E70] =	vst v7  }
.Ltmp3:
0xe9: {  	v2 =	vld [tilespmem:s2+$0x10E20];
	v6 =	vmul.f32 v4, v9;
	(pc) =	sbr.rel @p0 .LBB2_8-.Ltmp3, $4  }
0xea: {  	v4 =	vld [tilespmem:s2+$0x19E10];
	[tilespmem:s2+$0x10E60] =	vst v3  }
0xeb: {  	v3 =	vld [tilespmem:s2+$0x19E00];
	[tilespmem:s2+$0x10E50] =	vst v6  }
0xec: {  	v6 =	vld [tilespmem:s2+$0x10E10];
	v7 =	vmul.f32 v5, v8  }
0xed: {  	s30 =	sadd.s32 $0x200, s30;
	v5 =	vld [tilespmem:s2+$0x19E40]  }
0xee: {  	v8 =	vld [tilespmem:s2+$0x10E00];
	_ =	sdelay $0x1  }
0xef: {  	v1 =	vmul.f32 v1, v2  }
0xf0: {  	[tilespmem:s2+$0x10E30] =	vst v7;
	v4 =	vmul.f32 v4, v6  }
0xf1: {  	[tilespmem:s2+$0x10E20] =	vst v1;
	v0 =	vmul.f32 v5, v0  }
0xf2: {  	[tilespmem:s2+$0x10E10] =	vst v4;
	v63 =	vmul.f32 v3, v8  }
0xf3: {  	[tilespmem:s2+$0x10E40] =	vst v0  }
0xf4: {  	[tilespmem:s2+$0x10E00] =	vst v63  }
0xf5: {  	[hbm4b:s12+s3] =	stream.linear.scatter [tilespmem:s26], [sflag:$0x3], $0x1200, $0x38;
	[tilespmem:$0x1B000] =	vst v63  }
0xf6: {  	_ =	swait.ge [sflag:s22], $0xC00  }
0xf7: {  	[sflag:s22] =	ssyncset.done $0x0  }
0xf8: {  	[sflag:s22] =	ssyncadd.s32 $0xFFFFF400  }
0xf9: {  	_ =	swait.ge [sflag:s22], $0x3900  }
0xfa: {  	[sflag:s22] =	ssyncset.done $0x0  }
0xfb: {  	s28 =	sadd.s32 $0x1, s28;
	[sflag:s22] =	ssyncadd.s32 $0xFFFFC700  }
0xfc: {  	p0 =	sne.s32 s28, s13;
	_ =	swait.ge [sflag:s22], $0x3900  }
.Ltmp4:
0xfd: {  	[sflag:s22] =	ssyncset.done $0x0;
	(pc) =	sbr.rel @p0 .LBB2_1-.Ltmp4, $4  }
0xfe: {  	[sflag:s22] =	ssyncadd.s32 $0xFFFFC700  }
0xff: {  	_ =	swait.ge [sflag:s22], $0x1200  }
0x100: {  	[sflag:s22] =	ssyncset.done $0x0  }
0x101: {  	[sflag:s22] =	ssyncadd.s32 $0xFFFFEE00  }
0x102: {  	_ =	sfence.sel $0x180000  }
0x103: {  	[bflag:$0x0] =	sbarrier.arrive $0xFFFF  }
0x104: {  	_ =	strace $0x90000047  }
0x105: {  	[bflag:$0x2] =	sbarrier.arrive $0xFFFF  }
0x106: {  	p0 =	sne.s32 s0, $0x0;
	s0 =	rddreg [dreg:$0x4]  }
0x107: {  	s0 =	sadd.s32 @!p0 $0x100000, s0  }
0x108: {  	[sflag:s0] =	ssyncadd.tile.s32 @!p0 $0x1;
	_ =	shalt  }
.Lfunc_end2:
_tile_overlayer_lowered:
.L_overlay_start_2:
0x109: {  	(tag) =	ssettag $0x2  }
0x10a: {  	s0 =	rddreg [dreg:$0x0];
	s2 =	stileid.u32  }
0x10b: {  	s1 =	rddreg [dreg:$0x1];
	p0 =	sne.s32 s2, $0x0  }
0x10c: {  	s3 =	rddreg [dreg:$0x2];
	[bflag:$0x3] =	sbarrier.arrive $0xFFFF;
	s2 =	simm.s32 @!p0 $0x1C04  }
0x10d: {  	[timem:s3], [sflag:s2] =	dma.local @!p0 [hbm:s0], s1  }
0x10e: {  	s0 =	simm.s32 @!p0 $0x4  }
0x10f: {  	_ =	swait.ge @!p0 [sflag:s0], s1  }
0x110: {  	s1 =	ssub.s32 @!p0 $0x0, s1;
	[sflag:s0] =	ssyncset.done @!p0 $0x0  }
0x111: {  	[sflag:s0] =	ssyncadd.s32 @!p0 s1  }
0x112: {  	[bflag:$0x3] =	sbarrier.arrive $0xFFFF  }
0x113: {  	_ =	shalt  }

</sc_bundles>
